<compile_context>
chip_gen: v7x
topology: tpu7x:2x2x1
jax: 0.10.2.dev20260603
libtpu: 0.0.44.dev20260713+nightly
codegen_flags: <defaults>
</compile_context>

<pallas_src>
import functools

import jax
import jax.numpy as jnp
from jax import lax
from jax.experimental import pallas as pl
from jax.experimental.pallas import tpu as pltpu
from jax.experimental.pallas import tpu_sc as plsc

_EMBED = 64
_NFEAT = 13
_W = _NFEAT * _EMBED
_B = 16384
_NCORES = 2
_NW = 32
_TROWS = 8
_COLS = 4096
_NBUF = 3


def _copy_plan():
    plan = []
    for j in range(_NFEAT):
        if j % 2 == 0:
            plan.append((0, j, 0, j // 2))
            plan.append((1, j, 1, 6 + j // 2))
        else:
            plan.append((0, j, 1, (j - 1) // 2))
            plan.append((1, j, 0, 7 + (j - 1) // 2))
    return plan


_PLAN = _copy_plan()
_NBLK = len(_PLAN)


def _body(t0, t1, evT, odT, buf_a, buf_b, buf_c, sin, sout):
    wid = lax.axis_index("s") * _NCORES + lax.axis_index("c")
    row_off = (wid % 8) * _TROWS
    col0 = (wid // 8) * _COLS
    srcs = (t0, t1)
    dsts = (evT, odT)
    bufs = (buf_a, buf_b, buf_c)

    def src_slice(e):
        si, sb, _, _ = _PLAN[e]
        return srcs[si].at[pl.ds(sb * _EMBED + row_off, _TROWS),
                           pl.ds(col0, _COLS)]

    def dst_slice(e):
        _, _, di, db = _PLAN[e]
        return dsts[di].at[pl.ds(db * _EMBED + row_off, _TROWS),
                           pl.ds(col0, _COLS)]

    for step in range(_NBLK + 1):
        if step < _NBLK:
            b = bufs[step % _NBUF]
            if step >= _NBUF:
                pltpu.make_async_copy(b, dst_slice(step - _NBUF), sout).wait()
            pltpu.async_copy(src_slice(step), b, sin)
        j = step - 1
        if j >= 0:
            b = bufs[j % _NBUF]
            pltpu.make_async_copy(src_slice(j), b, sin).wait()
            pltpu.async_copy(b, dst_slice(j), sout)
    for j in range(_NBLK - _NBUF, _NBLK):
        pltpu.make_async_copy(bufs[j % _NBUF], dst_slice(j), sout).wait()


@functools.partial(
    pl.kernel,
    out_type=(
        jax.ShapeDtypeStruct((_W, _B), jnp.float32),
        jax.ShapeDtypeStruct((_W, _B), jnp.float32),
    ),
    mesh=plsc.VectorSubcoreMesh(core_axis_name="c", subcore_axis_name="s"),
    scratch_types=[
        pltpu.VMEM((_TROWS, _COLS), jnp.float32),
        pltpu.VMEM((_TROWS, _COLS), jnp.float32),
        pltpu.VMEM((_TROWS, _COLS), jnp.float32),
        pltpu.SemaphoreType.DMA,
        pltpu.SemaphoreType.DMA,
    ],
)
def _regroup_t(t0, t1, evT, odT, buf_a, buf_b, buf_c, sin, sout):
    _body(t0, t1, evT, odT, buf_a, buf_b, buf_c, sin, sout)


def kernel(values0, values1):
    evT, odT = _regroup_t(values0.T, values1.T)
    return evT.T, odT.T

# --- scband reference (transcript-rebuilt; emitter-appended) ---
"""Pipeline reference for scband-ktregroup-as-dict-55585466745321 (READ-ONLY COPY).

The authoritative reference and input builder live on the scoring server;
editing this copy changes nothing except your own understanding.
"""

import jax, jax.numpy as jnp
import numpy as np

EMBED_DIM = 64
N_FEATURES = 26
GROUPS = [[f"f{i}" for i in range(0, 26, 2)], [f"f{i}" for i in range(1, 26, 2)]]
OUT_KEYS = ["even", "odd"]
# KeyedTensor 0 holds features f0..f12, KeyedTensor 1 holds f13..f25,
# each pooled feature occupying EMBED_DIM contiguous columns of its values tensor.


def _col_perm():
    # Global column layout after concatenating kt values along dim=1 is f0..f25,
    # each EMBED_DIM wide. Build the column permutation that realizes the regroup
    # (this mirrors fbgemm permute_pooled_embs / _permuted_values).
    feat_to_global = {f"f{i}": i for i in range(N_FEATURES)}
    cols = []
    for group in GROUPS:
        for name in group:
            g = feat_to_global[name]
            cols.extend(range(g * EMBED_DIM, (g + 1) * EMBED_DIM))
    return np.asarray(cols, dtype=np.int32)


def setup_inputs(seed: int = 0) -> dict:
    key = jax.random.key(seed)
    k0, k1 = jax.random.split(key)
    B = 16384
    values0 = jax.random.normal(k0, (B, 13 * EMBED_DIM), dtype=jnp.float32)
    values1 = jax.random.normal(k1, (B, 13 * EMBED_DIM), dtype=jnp.float32)
    return {"values0": values0, "values1": values1}


def reference(values0, values1):
    # _concat_values: cat kt values along key dim (dim=1)
    values = jnp.concatenate([values0, values1], axis=1)
    # permute_pooled_embs: gather columns into grouped order
    perm = jnp.asarray(_col_perm())
    permuted = jnp.take(values, perm, axis=1)
    # _build_dict: split along dim=1 by group lengths -> dict; return as tuple
    splits = [len(g) * EMBED_DIM for g in GROUPS]  # [832, 832]
    out_even = permuted[:, : splits[0]]
    out_odd = permuted[:, splits[0] : splits[0] + splits[1]]
    return (out_even, out_odd)

if __name__ == "__main__":
    import jax
    _d = setup_inputs()
    print(jax.jit(kernel)(*tuple(_d.values())))

</pallas_src>

<mosaic_0001>
#map = affine_map<(d0, d1) -> (0, 0)>
module attributes {stable_mosaic.version = 14 : i64} {
  func.func @_regroup_t(%arg0: i32, %arg1: i32, %arg2: memref<832x16384xf32, #tpu.memory_space<hbm>>, %arg3: memref<832x16384xf32, #tpu.memory_space<hbm>>, %arg4: memref<832x16384xf32, #tpu.memory_space<hbm>>, %arg5: memref<832x16384xf32, #tpu.memory_space<hbm>>, %arg6: memref<8x4096xf32, #tpu.memory_space<vmem>>, %arg7: memref<8x4096xf32, #tpu.memory_space<vmem>>, %arg8: memref<8x4096xf32, #tpu.memory_space<vmem>>, %arg9: memref<!tpu.dma_semaphore, #tpu.memory_space<semaphore_mem>>, %arg10: memref<!tpu.dma_semaphore, #tpu.memory_space<semaphore_mem>>) attributes {dimension_semantics = [#tpu.dimension_semantics<core_parallel>, #tpu.dimension_semantics<subcore_parallel>], iteration_bounds = array<i64: 2, 16>, scalar_prefetch = 0 : i64, scratch_operands = 5 : i64, tpu.core_type = #tpu.core_type<sc_vector_subcore>, window_params = [{transform_indices = #map}, {transform_indices = #map}, {transform_indices = #map}, {transform_indices = #map}]} {
    %mul3A = arith.constant 2 : i32
    %mul3A_0 = arith.muli %arg1, %mul3A : i32
    %add3A = arith.addi %mul3A_0, %arg0 : i32
    %jit3A = arith.constant 8 : i32
    %eq3A = arith.constant 0 : i32
    %eq3A_1 = arith.cmpi eq, %jit3A, %eq3A : i32
    %jit3A_2 = arith.constant 1 : i32
    %select_n3A = arith.select %eq3A_1, %jit3A_2, %jit3A : i32
    %rem3A = arith.remsi %add3A, %select_n3A : i32
    %ne3A = arith.constant 0 : i32
    %ne3A_3 = arith.cmpi ne, %rem3A, %ne3A : i32
    %lt3A = arith.constant 0 : i32
    %lt3A_4 = arith.cmpi slt, %rem3A, %lt3A : i32
    %lt3A_5 = arith.constant 0 : i32
    %lt3A_6 = arith.cmpi slt, %select_n3A, %lt3A_5 : i32
    %ne3A_7 = arith.xori %lt3A_4, %lt3A_6 : i1
    %and3A = arith.andi %ne3A_7, %ne3A_3 : i1
    %add3A_8 = arith.addi %rem3A, %select_n3A : i32
    %select_n3A_9 = arith.select %and3A, %add3A_8, %rem3A : i32
    %mul3A_10 = arith.constant 8 : i32
    %mul3A_11 = arith.muli %select_n3A_9, %mul3A_10 : i32
    %jit3A_12 = arith.constant 8 : i32
    %div3A = arith.divsi %add3A, %jit3A_12 : i32
    %sign3A = arith.constant 0 : i32
    %sign3A_13 = arith.cmpi sgt, %add3A, %sign3A : i32
    %sign3A_14 = arith.extui %sign3A_13 : i1 to i32
    %sign3A_15 = arith.constant 0 : i32
    %sign3A_16 = arith.cmpi slt, %add3A, %sign3A_15 : i32
    %sign3A_17 = arith.extui %sign3A_16 : i1 to i32
    %sign3A_18 = arith.subi %sign3A_14, %sign3A_17 : i32
    %sign3A_19 = arith.constant 0 : i32
    %sign3A_20 = arith.cmpi sgt, %jit3A_12, %sign3A_19 : i32
    %sign3A_21 = arith.extui %sign3A_20 : i1 to i32
    %sign3A_22 = arith.constant 0 : i32
    %sign3A_23 = arith.cmpi slt, %jit3A_12, %sign3A_22 : i32
    %sign3A_24 = arith.extui %sign3A_23 : i1 to i32
    %sign3A_25 = arith.subi %sign3A_21, %sign3A_24 : i32
    %ne3A_26 = arith.cmpi ne, %sign3A_18, %sign3A_25 : i32
    %rem3A_27 = arith.remsi %add3A, %jit3A_12 : i32
    %ne3A_28 = arith.constant 0 : i32
    %ne3A_29 = arith.cmpi ne, %rem3A_27, %ne3A_28 : i32
    %and3A_30 = arith.andi %ne3A_26, %ne3A_29 : i1
    %sub3A = arith.constant 1 : i32
    %sub3A_31 = arith.subi %div3A, %sub3A : i32
    %select_n3A_32 = arith.select %and3A_30, %sub3A_31, %div3A : i32
    %mul3A_33 = arith.constant 4096 : i32
    %mul3A_34 = arith.muli %select_n3A_32, %mul3A_33 : i32
    %add3A_35 = arith.constant 0 : i32
    %add3A_36 = arith.addi %add3A_35, %mul3A_11 : i32
    %dma_start3A = tpu.memref_slice %arg2[%add3A_36, %mul3A_34] : memref<832x16384xf32, #tpu.memory_space<hbm>> -> memref<8x4096xf32, #tpu.memory_space<hbm>>
    %dma_start3A_37 = tpu.memref_slice %arg2[%add3A_36, %mul3A_34] : memref<832x16384xf32, #tpu.memory_space<hbm>> -> memref<8x4096xf32, #tpu.memory_space<hbm>>
    tpu.enqueue_dma source(%dma_start3A_37 : memref<8x4096xf32, #tpu.memory_space<hbm>>) target(%arg6 : memref<8x4096xf32, #tpu.memory_space<vmem>>) target_semaphore(%arg9 : memref<!tpu.dma_semaphore, #tpu.memory_space<semaphore_mem>>)
    %add3A_38 = arith.constant 0 : i32
    %add3A_39 = arith.addi %add3A_38, %mul3A_11 : i32
    %dma_start3A_40 = tpu.memref_slice %arg3[%add3A_39, %mul3A_34] : memref<832x16384xf32, #tpu.memory_space<hbm>> -> memref<8x4096xf32, #tpu.memory_space<hbm>>
    %dma_start3A_41 = tpu.memref_slice %arg3[%add3A_39, %mul3A_34] : memref<832x16384xf32, #tpu.memory_space<hbm>> -> memref<8x4096xf32, #tpu.memory_space<hbm>>
    tpu.enqueue_dma source(%dma_start3A_41 : memref<8x4096xf32, #tpu.memory_space<hbm>>) target(%arg7 : memref<8x4096xf32, #tpu.memory_space<vmem>>) target_semaphore(%arg9 : memref<!tpu.dma_semaphore, #tpu.memory_space<semaphore_mem>>)
    %add3A_42 = arith.constant 0 : i32
    %add3A_43 = arith.addi %add3A_42, %mul3A_11 : i32
    %dma_wait3A = tpu.memref_slice %arg2[%add3A_43, %mul3A_34] : memref<832x16384xf32, #tpu.memory_space<hbm>> -> memref<8x4096xf32, #tpu.memory_space<hbm>>
    %dma_wait3A_44 = tpu.memref_slice %arg2[%add3A_43, %mul3A_34] : memref<832x16384xf32, #tpu.memory_space<hbm>> -> memref<8x4096xf32, #tpu.memory_space<hbm>>
    tpu.wait_dma2 semaphore(%arg9 : memref<!tpu.dma_semaphore, #tpu.memory_space<semaphore_mem>>) src(%dma_wait3A_44 : memref<8x4096xf32, #tpu.memory_space<hbm>>) dst(%arg6 : memref<8x4096xf32, #tpu.memory_space<vmem>>)
    %add3A_45 = arith.constant 0 : i32
    %add3A_46 = arith.addi %add3A_45, %mul3A_11 : i32
    %dma_start3A_47 = tpu.memref_slice %arg4[%add3A_46, %mul3A_34] : memref<832x16384xf32, #tpu.memory_space<hbm>> -> memref<8x4096xf32, #tpu.memory_space<hbm>>
    %dma_start3A_48 = tpu.memref_slice %arg4[%add3A_46, %mul3A_34] : memref<832x16384xf32, #tpu.memory_space<hbm>> -> memref<8x4096xf32, #tpu.memory_space<hbm>>
    tpu.enqueue_dma source(%arg6 : memref<8x4096xf32, #tpu.memory_space<vmem>>) target(%dma_start3A_48 : memref<8x4096xf32, #tpu.memory_space<hbm>>) target_semaphore(%arg10 : memref<!tpu.dma_semaphore, #tpu.memory_space<semaphore_mem>>)
    %add3A_49 = arith.constant 64 : i32
    %add3A_50 = arith.addi %add3A_49, %mul3A_11 : i32
    %dma_start3A_51 = tpu.memref_slice %arg2[%add3A_50, %mul3A_34] : memref<832x16384xf32, #tpu.memory_space<hbm>> -> memref<8x4096xf32, #tpu.memory_space<hbm>>
    %dma_start3A_52 = tpu.memref_slice %arg2[%add3A_50, %mul3A_34] : memref<832x16384xf32, #tpu.memory_space<hbm>> -> memref<8x4096xf32, #tpu.memory_space<hbm>>
    tpu.enqueue_dma source(%dma_start3A_52 : memref<8x4096xf32, #tpu.memory_space<hbm>>) target(%arg8 : memref<8x4096xf32, #tpu.memory_space<vmem>>) target_semaphore(%arg9 : memref<!tpu.dma_semaphore, #tpu.memory_space<semaphore_mem>>)
    %add3A_53 = arith.constant 0 : i32
    %add3A_54 = arith.addi %add3A_53, %mul3A_11 : i32
    %dma_wait3A_55 = tpu.memref_slice %arg3[%add3A_54, %mul3A_34] : memref<832x16384xf32, #tpu.memory_space<hbm>> -> memref<8x4096xf32, #tpu.memory_space<hbm>>
    %dma_wait3A_56 = tpu.memref_slice %arg3[%add3A_54, %mul3A_34] : memref<832x16384xf32, #tpu.memory_space<hbm>> -> memref<8x4096xf32, #tpu.memory_space<hbm>>
    tpu.wait_dma2 semaphore(%arg9 : memref<!tpu.dma_semaphore, #tpu.memory_space<semaphore_mem>>) src(%dma_wait3A_56 : memref<8x4096xf32, #tpu.memory_space<hbm>>) dst(%arg7 : memref<8x4096xf32, #tpu.memory_space<vmem>>)
    %add3A_57 = arith.constant 384 : i32
    %add3A_58 = arith.addi %add3A_57, %mul3A_11 : i32
    %dma_start3A_59 = tpu.memref_slice %arg5[%add3A_58, %mul3A_34] : memref<832x16384xf32, #tpu.memory_space<hbm>> -> memref<8x4096xf32, #tpu.memory_space<hbm>>
    %dma_start3A_60 = tpu.memref_slice %arg5[%add3A_58, %mul3A_34] : memref<832x16384xf32, #tpu.memory_space<hbm>> -> memref<8x4096xf32, #tpu.memory_space<hbm>>
    tpu.enqueue_dma source(%arg7 : memref<8x4096xf32, #tpu.memory_space<vmem>>) target(%dma_start3A_60 : memref<8x4096xf32, #tpu.memory_space<hbm>>) target_semaphore(%arg10 : memref<!tpu.dma_semaphore, #tpu.memory_space<semaphore_mem>>)
    %add3A_61 = arith.constant 0 : i32
    %add3A_62 = arith.addi %add3A_61, %mul3A_11 : i32
    %dma_wait3A_63 = tpu.memref_slice %arg4[%add3A_62, %mul3A_34] : memref<832x16384xf32, #tpu.memory_space<hbm>> -> memref<8x4096xf32, #tpu.memory_space<hbm>>
    %dma_wait3A_64 = tpu.memref_slice %arg4[%add3A_62, %mul3A_34] : memref<832x16384xf32, #tpu.memory_space<hbm>> -> memref<8x4096xf32, #tpu.memory_space<hbm>>
    tpu.wait_dma2 semaphore(%arg10 : memref<!tpu.dma_semaphore, #tpu.memory_space<semaphore_mem>>) src(%arg6 : memref<8x4096xf32, #tpu.memory_space<vmem>>) dst(%dma_wait3A_64 : memref<8x4096xf32, #tpu.memory_space<hbm>>)
    %add3A_65 = arith.constant 64 : i32
    %add3A_66 = arith.addi %add3A_65, %mul3A_11 : i32
    %dma_start3A_67 = tpu.memref_slice %arg3[%add3A_66, %mul3A_34] : memref<832x16384xf32, #tpu.memory_space<hbm>> -> memref<8x4096xf32, #tpu.memory_space<hbm>>
    %dma_start3A_68 = tpu.memref_slice %arg3[%add3A_66, %mul3A_34] : memref<832x16384xf32, #tpu.memory_space<hbm>> -> memref<8x4096xf32, #tpu.memory_space<hbm>>
    tpu.enqueue_dma source(%dma_start3A_68 : memref<8x4096xf32, #tpu.memory_space<hbm>>) target(%arg6 : memref<8x4096xf32, #tpu.memory_space<vmem>>) target_semaphore(%arg9 : memref<!tpu.dma_semaphore, #tpu.memory_space<semaphore_mem>>)
    %add3A_69 = arith.constant 64 : i32
    %add3A_70 = arith.addi %add3A_69, %mul3A_11 : i32
    %dma_wait3A_71 = tpu.memref_slice %arg2[%add3A_70, %mul3A_34] : memref<832x16384xf32, #tpu.memory_space<hbm>> -> memref<8x4096xf32, #tpu.memory_space<hbm>>
    %dma_wait3A_72 = tpu.memref_slice %arg2[%add3A_70, %mul3A_34] : memref<832x16384xf32, #tpu.memory_space<hbm>> -> memref<8x4096xf32, #tpu.memory_space<hbm>>
    tpu.wait_dma2 semaphore(%arg9 : memref<!tpu.dma_semaphore, #tpu.memory_space<semaphore_mem>>) src(%dma_wait3A_72 : memref<8x4096xf32, #tpu.memory_space<hbm>>) dst(%arg8 : memref<8x4096xf32, #tpu.memory_space<vmem>>)
    %add3A_73 = arith.constant 0 : i32
    %add3A_74 = arith.addi %add3A_73, %mul3A_11 : i32
    %dma_start3A_75 = tpu.memref_slice %arg5[%add3A_74, %mul3A_34] : memref<832x16384xf32, #tpu.memory_space<hbm>> -> memref<8x4096xf32, #tpu.memory_space<hbm>>
    %dma_start3A_76 = tpu.memref_slice %arg5[%add3A_74, %mul3A_34] : memref<832x16384xf32, #tpu.memory_space<hbm>> -> memref<8x4096xf32, #tpu.memory_space<hbm>>
    tpu.enqueue_dma source(%arg8 : memref<8x4096xf32, #tpu.memory_space<vmem>>) target(%dma_start3A_76 : memref<8x4096xf32, #tpu.memory_space<hbm>>) target_semaphore(%arg10 : memref<!tpu.dma_semaphore, #tpu.memory_space<semaphore_mem>>)
    %add3A_77 = arith.constant 384 : i32
    %add3A_78 = arith.addi %add3A_77, %mul3A_11 : i32
    %dma_wait3A_79 = tpu.memref_slice %arg5[%add3A_78, %mul3A_34] : memref<832x16384xf32, #tpu.memory_space<hbm>> -> memref<8x4096xf32, #tpu.memory_space<hbm>>
    %dma_wait3A_80 = tpu.memref_slice %arg5[%add3A_78, %mul3A_34] : memref<832x16384xf32, #tpu.memory_space<hbm>> -> memref<8x4096xf32, #tpu.memory_space<hbm>>
    tpu.wait_dma2 semaphore(%arg10 : memref<!tpu.dma_semaphore, #tpu.memory_space<semaphore_mem>>) src(%arg7 : memref<8x4096xf32, #tpu.memory_space<vmem>>) dst(%dma_wait3A_80 : memref<8x4096xf32, #tpu.memory_space<hbm>>)
    %add3A_81 = arith.constant 128 : i32
    %add3A_82 = arith.addi %add3A_81, %mul3A_11 : i32
    %dma_start3A_83 = tpu.memref_slice %arg2[%add3A_82, %mul3A_34] : memref<832x16384xf32, #tpu.memory_space<hbm>> -> memref<8x4096xf32, #tpu.memory_space<hbm>>
    %dma_start3A_84 = tpu.memref_slice %arg2[%add3A_82, %mul3A_34] : memref<832x16384xf32, #tpu.memory_space<hbm>> -> memref<8x4096xf32, #tpu.memory_space<hbm>>
    tpu.enqueue_dma source(%dma_start3A_84 : memref<8x4096xf32, #tpu.memory_space<hbm>>) target(%arg7 : memref<8x4096xf32, #tpu.memory_space<vmem>>) target_semaphore(%arg9 : memref<!tpu.dma_semaphore, #tpu.memory_space<semaphore_mem>>)
    %add3A_85 = arith.constant 64 : i32
    %add3A_86 = arith.addi %add3A_85, %mul3A_11 : i32
    %dma_wait3A_87 = tpu.memref_slice %arg3[%add3A_86, %mul3A_34] : memref<832x16384xf32, #tpu.memory_space<hbm>> -> memref<8x4096xf32, #tpu.memory_space<hbm>>
    %dma_wait3A_88 = tpu.memref_slice %arg3[%add3A_86, %mul3A_34] : memref<832x16384xf32, #tpu.memory_space<hbm>> -> memref<8x4096xf32, #tpu.memory_space<hbm>>
    tpu.wait_dma2 semaphore(%arg9 : memref<!tpu.dma_semaphore, #tpu.memory_space<semaphore_mem>>) src(%dma_wait3A_88 : memref<8x4096xf32, #tpu.memory_space<hbm>>) dst(%arg6 : memref<8x4096xf32, #tpu.memory_space<vmem>>)
    %add3A_89 = arith.constant 448 : i32
    %add3A_90 = arith.addi %add3A_89, %mul3A_11 : i32
    %dma_start3A_91 = tpu.memref_slice %arg4[%add3A_90, %mul3A_34] : memref<832x16384xf32, #tpu.memory_space<hbm>> -> memref<8x4096xf32, #tpu.memory_space<hbm>>
    %dma_start3A_92 = tpu.memref_slice %arg4[%add3A_90, %mul3A_34] : memref<832x16384xf32, #tpu.memory_space<hbm>> -> memref<8x4096xf32, #tpu.memory_space<hbm>>
    tpu.enqueue_dma source(%arg6 : memref<8x4096xf32, #tpu.memory_space<vmem>>) target(%dma_start3A_92 : memref<8x4096xf32, #tpu.memory_space<hbm>>) target_semaphore(%arg10 : memref<!tpu.dma_semaphore, #tpu.memory_space<semaphore_mem>>)
    %add3A_93 = arith.constant 0 : i32
    %add3A_94 = arith.addi %add3A_93, %mul3A_11 : i32
    %dma_wait3A_95 = tpu.memref_slice %arg5[%add3A_94, %mul3A_34] : memref<832x16384xf32, #tpu.memory_space<hbm>> -> memref<8x4096xf32, #tpu.memory_space<hbm>>
    %dma_wait3A_96 = tpu.memref_slice %arg5[%add3A_94, %mul3A_34] : memref<832x16384xf32, #tpu.memory_space<hbm>> -> memref<8x4096xf32, #tpu.memory_space<hbm>>
    tpu.wait_dma2 semaphore(%arg10 : memref<!tpu.dma_semaphore, #tpu.memory_space<semaphore_mem>>) src(%arg8 : memref<8x4096xf32, #tpu.memory_space<vmem>>) dst(%dma_wait3A_96 : memref<8x4096xf32, #tpu.memory_space<hbm>>)
    %add3A_97 = arith.constant 128 : i32
    %add3A_98 = arith.addi %add3A_97, %mul3A_11 : i32
    %dma_start3A_99 = tpu.memref_slice %arg3[%add3A_98, %mul3A_34] : memref<832x16384xf32, #tpu.memory_space<hbm>> -> memref<8x4096xf32, #tpu.memory_space<hbm>>
    %dma_start3A_100 = tpu.memref_slice %arg3[%add3A_98, %mul3A_34] : memref<832x16384xf32, #tpu.memory_space<hbm>> -> memref<8x4096xf32, #tpu.memory_space<hbm>>
    tpu.enqueue_dma source(%dma_start3A_100 : memref<8x4096xf32, #tpu.memory_space<hbm>>) target(%arg8 : memref<8x4096xf32, #tpu.memory_space<vmem>>) target_semaphore(%arg9 : memref<!tpu.dma_semaphore, #tpu.memory_space<semaphore_mem>>)
    %add3A_101 = arith.constant 128 : i32
    %add3A_102 = arith.addi %add3A_101, %mul3A_11 : i32
    %dma_wait3A_103 = tpu.memref_slice %arg2[%add3A_102, %mul3A_34] : memref<832x16384xf32, #tpu.memory_space<hbm>> -> memref<8x4096xf32, #tpu.memory_space<hbm>>
    %dma_wait3A_104 = tpu.memref_slice %arg2[%add3A_102, %mul3A_34] : memref<832x16384xf32, #tpu.memory_space<hbm>> -> memref<8x4096xf32, #tpu.memory_space<hbm>>
    tpu.wait_dma2 semaphore(%arg9 : memref<!tpu.dma_semaphore, #tpu.memory_space<semaphore_mem>>) src(%dma_wait3A_104 : memref<8x4096xf32, #tpu.memory_space<hbm>>) dst(%arg7 : memref<8x4096xf32, #tpu.memory_space<vmem>>)
    %add3A_105 = arith.constant 64 : i32
    %add3A_106 = arith.addi %add3A_105, %mul3A_11 : i32
    %dma_start3A_107 = tpu.memref_slice %arg4[%add3A_106, %mul3A_34] : memref<832x16384xf32, #tpu.memory_space<hbm>> -> memref<8x4096xf32, #tpu.memory_space<hbm>>
    %dma_start3A_108 = tpu.memref_slice %arg4[%add3A_106, %mul3A_34] : memref<832x16384xf32, #tpu.memory_space<hbm>> -> memref<8x4096xf32, #tpu.memory_space<hbm>>
    tpu.enqueue_dma source(%arg7 : memref<8x4096xf32, #tpu.memory_space<vmem>>) target(%dma_start3A_108 : memref<8x4096xf32, #tpu.memory_space<hbm>>) target_semaphore(%arg10 : memref<!tpu.dma_semaphore, #tpu.memory_space<semaphore_mem>>)
    %add3A_109 = arith.constant 448 : i32
    %add3A_110 = arith.addi %add3A_109, %mul3A_11 : i32
    %dma_wait3A_111 = tpu.memref_slice %arg4[%add3A_110, %mul3A_34] : memref<832x16384xf32, #tpu.memory_space<hbm>> -> memref<8x4096xf32, #tpu.memory_space<hbm>>
    %dma_wait3A_112 = tpu.memref_slice %arg4[%add3A_110, %mul3A_34] : memref<832x16384xf32, #tpu.memory_space<hbm>> -> memref<8x4096xf32, #tpu.memory_space<hbm>>
    tpu.wait_dma2 semaphore(%arg10 : memref<!tpu.dma_semaphore, #tpu.memory_space<semaphore_mem>>) src(%arg6 : memref<8x4096xf32, #tpu.memory_space<vmem>>) dst(%dma_wait3A_112 : memref<8x4096xf32, #tpu.memory_space<hbm>>)
    %add3A_113 = arith.constant 192 : i32
    %add3A_114 = arith.addi %add3A_113, %mul3A_11 : i32
    %dma_start3A_115 = tpu.memref_slice %arg2[%add3A_114, %mul3A_34] : memref<832x16384xf32, #tpu.memory_space<hbm>> -> memref<8x4096xf32, #tpu.memory_space<hbm>>
    %dma_start3A_116 = tpu.memref_slice %arg2[%add3A_114, %mul3A_34] : memref<832x16384xf32, #tpu.memory_space<hbm>> -> memref<8x4096xf32, #tpu.memory_space<hbm>>
    tpu.enqueue_dma source(%dma_start3A_116 : memref<8x4096xf32, #tpu.memory_space<hbm>>) target(%arg6 : memref<8x4096xf32, #tpu.memory_space<vmem>>) target_semaphore(%arg9 : memref<!tpu.dma_semaphore, #tpu.memory_space<semaphore_mem>>)
    %add3A_117 = arith.constant 128 : i32
    %add3A_118 = arith.addi %add3A_117, %mul3A_11 : i32
    %dma_wait3A_119 = tpu.memref_slice %arg3[%add3A_118, %mul3A_34] : memref<832x16384xf32, #tpu.memory_space<hbm>> -> memref<8x4096xf32, #tpu.memory_space<hbm>>
    %dma_wait3A_120 = tpu.memref_slice %arg3[%add3A_118, %mul3A_34] : memref<832x16384xf32, #tpu.memory_space<hbm>> -> memref<8x4096xf32, #tpu.memory_space<hbm>>
    tpu.wait_dma2 semaphore(%arg9 : memref<!tpu.dma_semaphore, #tpu.memory_space<semaphore_mem>>) src(%dma_wait3A_120 : memref<8x4096xf32, #tpu.memory_space<hbm>>) dst(%arg8 : memref<8x4096xf32, #tpu.memory_space<vmem>>)
    %add3A_121 = arith.constant 448 : i32
    %add3A_122 = arith.addi %add3A_121, %mul3A_11 : i32
    %dma_start3A_123 = tpu.memref_slice %arg5[%add3A_122, %mul3A_34] : memref<832x16384xf32, #tpu.memory_space<hbm>> -> memref<8x4096xf32, #tpu.memory_space<hbm>>
    %dma_start3A_124 = tpu.memref_slice %arg5[%add3A_122, %mul3A_34] : memref<832x16384xf32, #tpu.memory_space<hbm>> -> memref<8x4096xf32, #tpu.memory_space<hbm>>
    tpu.enqueue_dma source(%arg8 : memref<8x4096xf32, #tpu.memory_space<vmem>>) target(%dma_start3A_124 : memref<8x4096xf32, #tpu.memory_space<hbm>>) target_semaphore(%arg10 : memref<!tpu.dma_semaphore, #tpu.memory_space<semaphore_mem>>)
    %add3A_125 = arith.constant 64 : i32
    %add3A_126 = arith.addi %add3A_125, %mul3A_11 : i32
    %dma_wait3A_127 = tpu.memref_slice %arg4[%add3A_126, %mul3A_34] : memref<832x16384xf32, #tpu.memory_space<hbm>> -> memref<8x4096xf32, #tpu.memory_space<hbm>>
    %dma_wait3A_128 = tpu.memref_slice %arg4[%add3A_126, %mul3A_34] : memref<832x16384xf32, #tpu.memory_space<hbm>> -> memref<8x4096xf32, #tpu.memory_space<hbm>>
    tpu.wait_dma2 semaphore(%arg10 : memref<!tpu.dma_semaphore, #tpu.memory_space<semaphore_mem>>) src(%arg7 : memref<8x4096xf32, #tpu.memory_space<vmem>>) dst(%dma_wait3A_128 : memref<8x4096xf32, #tpu.memory_space<hbm>>)
    %add3A_129 = arith.constant 192 : i32
    %add3A_130 = arith.addi %add3A_129, %mul3A_11 : i32
    %dma_start3A_131 = tpu.memref_slice %arg3[%add3A_130, %mul3A_34] : memref<832x16384xf32, #tpu.memory_space<hbm>> -> memref<8x4096xf32, #tpu.memory_space<hbm>>
    %dma_start3A_132 = tpu.memref_slice %arg3[%add3A_130, %mul3A_34] : memref<832x16384xf32, #tpu.memory_space<hbm>> -> memref<8x4096xf32, #tpu.memory_space<hbm>>
    tpu.enqueue_dma source(%dma_start3A_132 : memref<8x4096xf32, #tpu.memory_space<hbm>>) target(%arg7 : memref<8x4096xf32, #tpu.memory_space<vmem>>) target_semaphore(%arg9 : memref<!tpu.dma_semaphore, #tpu.memory_space<semaphore_mem>>)
    %add3A_133 = arith.constant 192 : i32
    %add3A_134 = arith.addi %add3A_133, %mul3A_11 : i32
    %dma_wait3A_135 = tpu.memref_slice %arg2[%add3A_134, %mul3A_34] : memref<832x16384xf32, #tpu.memory_space<hbm>> -> memref<8x4096xf32, #tpu.memory_space<hbm>>
    %dma_wait3A_136 = tpu.memref_slice %arg2[%add3A_134, %mul3A_34] : memref<832x16384xf32, #tpu.memory_space<hbm>> -> memref<8x4096xf32, #tpu.memory_space<hbm>>
    tpu.wait_dma2 semaphore(%arg9 : memref<!tpu.dma_semaphore, #tpu.memory_space<semaphore_mem>>) src(%dma_wait3A_136 : memref<8x4096xf32, #tpu.memory_space<hbm>>) dst(%arg6 : memref<8x4096xf32, #tpu.memory_space<vmem>>)
    %add3A_137 = arith.constant 64 : i32
    %add3A_138 = arith.addi %add3A_137, %mul3A_11 : i32
    %dma_start3A_139 = tpu.memref_slice %arg5[%add3A_138, %mul3A_34] : memref<832x16384xf32, #tpu.memory_space<hbm>> -> memref<8x4096xf32, #tpu.memory_space<hbm>>
    %dma_start3A_140 = tpu.memref_slice %arg5[%add3A_138, %mul3A_34] : memref<832x16384xf32, #tpu.memory_space<hbm>> -> memref<8x4096xf32, #tpu.memory_space<hbm>>
    tpu.enqueue_dma source(%arg6 : memref<8x4096xf32, #tpu.memory_space<vmem>>) target(%dma_start3A_140 : memref<8x4096xf32, #tpu.memory_space<hbm>>) target_semaphore(%arg10 : memref<!tpu.dma_semaphore, #tpu.memory_space<semaphore_mem>>)
    %add3A_141 = arith.constant 448 : i32
    %add3A_142 = arith.addi %add3A_141, %mul3A_11 : i32
    %dma_wait3A_143 = tpu.memref_slice %arg5[%add3A_142, %mul3A_34] : memref<832x16384xf32, #tpu.memory_space<hbm>> -> memref<8x4096xf32, #tpu.memory_space<hbm>>
    %dma_wait3A_144 = tpu.memref_slice %arg5[%add3A_142, %mul3A_34] : memref<832x16384xf32, #tpu.memory_space<hbm>> -> memref<8x4096xf32, #tpu.memory_space<hbm>>
    tpu.wait_dma2 semaphore(%arg10 : memref<!tpu.dma_semaphore, #tpu.memory_space<semaphore_mem>>) src(%arg8 : memref<8x4096xf32, #tpu.memory_space<vmem>>) dst(%dma_wait3A_144 : memref<8x4096xf32, #tpu.memory_space<hbm>>)
    %add3A_145 = arith.constant 256 : i32
    %add3A_146 = arith.addi %add3A_145, %mul3A_11 : i32
    %dma_start3A_147 = tpu.memref_slice %arg2[%add3A_146, %mul3A_34] : memref<832x16384xf32, #tpu.memory_space<hbm>> -> memref<8x4096xf32, #tpu.memory_space<hbm>>
    %dma_start3A_148 = tpu.memref_slice %arg2[%add3A_146, %mul3A_34] : memref<832x16384xf32, #tpu.memory_space<hbm>> -> memref<8x4096xf32, #tpu.memory_space<hbm>>
    tpu.enqueue_dma source(%dma_start3A_148 : memref<8x4096xf32, #tpu.memory_space<hbm>>) target(%arg8 : memref<8x4096xf32, #tpu.memory_space<vmem>>) target_semaphore(%arg9 : memref<!tpu.dma_semaphore, #tpu.memory_space<semaphore_mem>>)
    %add3A_149 = arith.constant 192 : i32
    %add3A_150 = arith.addi %add3A_149, %mul3A_11 : i32
    %dma_wait3A_151 = tpu.memref_slice %arg3[%add3A_150, %mul3A_34] : memref<832x16384xf32, #tpu.memory_space<hbm>> -> memref<8x4096xf32, #tpu.memory_space<hbm>>
    %dma_wait3A_152 = tpu.memref_slice %arg3[%add3A_150, %mul3A_34] : memref<832x16384xf32, #tpu.memory_space<hbm>> -> memref<8x4096xf32, #tpu.memory_space<hbm>>
    tpu.wait_dma2 semaphore(%arg9 : memref<!tpu.dma_semaphore, #tpu.memory_space<semaphore_mem>>) src(%dma_wait3A_152 : memref<8x4096xf32, #tpu.memory_space<hbm>>) dst(%arg7 : memref<8x4096xf32, #tpu.memory_space<vmem>>)
    %add3A_153 = arith.constant 512 : i32
    %add3A_154 = arith.addi %add3A_153, %mul3A_11 : i32
    %dma_start3A_155 = tpu.memref_slice %arg4[%add3A_154, %mul3A_34] : memref<832x16384xf32, #tpu.memory_space<hbm>> -> memref<8x4096xf32, #tpu.memory_space<hbm>>
    %dma_start3A_156 = tpu.memref_slice %arg4[%add3A_154, %mul3A_34] : memref<832x16384xf32, #tpu.memory_space<hbm>> -> memref<8x4096xf32, #tpu.memory_space<hbm>>
    tpu.enqueue_dma source(%arg7 : memref<8x4096xf32, #tpu.memory_space<vmem>>) target(%dma_start3A_156 : memref<8x4096xf32, #tpu.memory_space<hbm>>) target_semaphore(%arg10 : memref<!tpu.dma_semaphore, #tpu.memory_space<semaphore_mem>>)
    %add3A_157 = arith.constant 64 : i32
    %add3A_158 = arith.addi %add3A_157, %mul3A_11 : i32
    %dma_wait3A_159 = tpu.memref_slice %arg5[%add3A_158, %mul3A_34] : memref<832x16384xf32, #tpu.memory_space<hbm>> -> memref<8x4096xf32, #tpu.memory_space<hbm>>
    %dma_wait3A_160 = tpu.memref_slice %arg5[%add3A_158, %mul3A_34] : memref<832x16384xf32, #tpu.memory_space<hbm>> -> memref<8x4096xf32, #tpu.memory_space<hbm>>
    tpu.wait_dma2 semaphore(%arg10 : memref<!tpu.dma_semaphore, #tpu.memory_space<semaphore_mem>>) src(%arg6 : memref<8x4096xf32, #tpu.memory_space<vmem>>) dst(%dma_wait3A_160 : memref<8x4096xf32, #tpu.memory_space<hbm>>)
    %add3A_161 = arith.constant 256 : i32
    %add3A_162 = arith.addi %add3A_161, %mul3A_11 : i32
    %dma_start3A_163 = tpu.memref_slice %arg3[%add3A_162, %mul3A_34] : memref<832x16384xf32, #tpu.memory_space<hbm>> -> memref<8x4096xf32, #tpu.memory_space<hbm>>
    %dma_start3A_164 = tpu.memref_slice %arg3[%add3A_162, %mul3A_34] : memref<832x16384xf32, #tpu.memory_space<hbm>> -> memref<8x4096xf32, #tpu.memory_space<hbm>>
    tpu.enqueue_dma source(%dma_start3A_164 : memref<8x4096xf32, #tpu.memory_space<hbm>>) target(%arg6 : memref<8x4096xf32, #tpu.memory_space<vmem>>) target_semaphore(%arg9 : memref<!tpu.dma_semaphore, #tpu.memory_space<semaphore_mem>>)
    %add3A_165 = arith.constant 256 : i32
    %add3A_166 = arith.addi %add3A_165, %mul3A_11 : i32
    %dma_wait3A_167 = tpu.memref_slice %arg2[%add3A_166, %mul3A_34] : memref<832x16384xf32, #tpu.memory_space<hbm>> -> memref<8x4096xf32, #tpu.memory_space<hbm>>
    %dma_wait3A_168 = tpu.memref_slice %arg2[%add3A_166, %mul3A_34] : memref<832x16384xf32, #tpu.memory_space<hbm>> -> memref<8x4096xf32, #tpu.memory_space<hbm>>
    tpu.wait_dma2 semaphore(%arg9 : memref<!tpu.dma_semaphore, #tpu.memory_space<semaphore_mem>>) src(%dma_wait3A_168 : memref<8x4096xf32, #tpu.memory_space<hbm>>) dst(%arg8 : memref<8x4096xf32, #tpu.memory_space<vmem>>)
    %add3A_169 = arith.constant 128 : i32
    %add3A_170 = arith.addi %add3A_169, %mul3A_11 : i32
    %dma_start3A_171 = tpu.memref_slice %arg4[%add3A_170, %mul3A_34] : memref<832x16384xf32, #tpu.memory_space<hbm>> -> memref<8x4096xf32, #tpu.memory_space<hbm>>
    %dma_start3A_172 = tpu.memref_slice %arg4[%add3A_170, %mul3A_34] : memref<832x16384xf32, #tpu.memory_space<hbm>> -> memref<8x4096xf32, #tpu.memory_space<hbm>>
    tpu.enqueue_dma source(%arg8 : memref<8x4096xf32, #tpu.memory_space<vmem>>) target(%dma_start3A_172 : memref<8x4096xf32, #tpu.memory_space<hbm>>) target_semaphore(%arg10 : memref<!tpu.dma_semaphore, #tpu.memory_space<semaphore_mem>>)
    %add3A_173 = arith.constant 512 : i32
    %add3A_174 = arith.addi %add3A_173, %mul3A_11 : i32
    %dma_wait3A_175 = tpu.memref_slice %arg4[%add3A_174, %mul3A_34] : memref<832x16384xf32, #tpu.memory_space<hbm>> -> memref<8x4096xf32, #tpu.memory_space<hbm>>
    %dma_wait3A_176 = tpu.memref_slice %arg4[%add3A_174, %mul3A_34] : memref<832x16384xf32, #tpu.memory_space<hbm>> -> memref<8x4096xf32, #tpu.memory_space<hbm>>
    tpu.wait_dma2 semaphore(%arg10 : memref<!tpu.dma_semaphore, #tpu.memory_space<semaphore_mem>>) src(%arg7 : memref<8x4096xf32, #tpu.memory_space<vmem>>) dst(%dma_wait3A_176 : memref<8x4096xf32, #tpu.memory_space<hbm>>)
    %add3A_177 = arith.constant 320 : i32
    %add3A_178 = arith.addi %add3A_177, %mul3A_11 : i32
    %dma_start3A_179 = tpu.memref_slice %arg2[%add3A_178, %mul3A_34] : memref<832x16384xf32, #tpu.memory_space<hbm>> -> memref<8x4096xf32, #tpu.memory_space<hbm>>
    %dma_start3A_180 = tpu.memref_slice %arg2[%add3A_178, %mul3A_34] : memref<832x16384xf32, #tpu.memory_space<hbm>> -> memref<8x4096xf32, #tpu.memory_space<hbm>>
    tpu.enqueue_dma source(%dma_start3A_180 : memref<8x4096xf32, #tpu.memory_space<hbm>>) target(%arg7 : memref<8x4096xf32, #tpu.memory_space<vmem>>) target_semaphore(%arg9 : memref<!tpu.dma_semaphore, #tpu.memory_space<semaphore_mem>>)
    %add3A_181 = arith.constant 256 : i32
    %add3A_182 = arith.addi %add3A_181, %mul3A_11 : i32
    %dma_wait3A_183 = tpu.memref_slice %arg3[%add3A_182, %mul3A_34] : memref<832x16384xf32, #tpu.memory_space<hbm>> -> memref<8x4096xf32, #tpu.memory_space<hbm>>
    %dma_wait3A_184 = tpu.memref_slice %arg3[%add3A_182, %mul3A_34] : memref<832x16384xf32, #tpu.memory_space<hbm>> -> memref<8x4096xf32, #tpu.memory_space<hbm>>
    tpu.wait_dma2 semaphore(%arg9 : memref<!tpu.dma_semaphore, #tpu.memory_space<semaphore_mem>>) src(%dma_wait3A_184 : memref<8x4096xf32, #tpu.memory_space<hbm>>) dst(%arg6 : memref<8x4096xf32, #tpu.memory_space<vmem>>)
    %add3A_185 = arith.constant 512 : i32
    %add3A_186 = arith.addi %add3A_185, %mul3A_11 : i32
    %dma_start3A_187 = tpu.memref_slice %arg5[%add3A_186, %mul3A_34] : memref<832x16384xf32, #tpu.memory_space<hbm>> -> memref<8x4096xf32, #tpu.memory_space<hbm>>
    %dma_start3A_188 = tpu.memref_slice %arg5[%add3A_186, %mul3A_34] : memref<832x16384xf32, #tpu.memory_space<hbm>> -> memref<8x4096xf32, #tpu.memory_space<hbm>>
    tpu.enqueue_dma source(%arg6 : memref<8x4096xf32, #tpu.memory_space<vmem>>) target(%dma_start3A_188 : memref<8x4096xf32, #tpu.memory_space<hbm>>) target_semaphore(%arg10 : memref<!tpu.dma_semaphore, #tpu.memory_space<semaphore_mem>>)
    %add3A_189 = arith.constant 128 : i32
    %add3A_190 = arith.addi %add3A_189, %mul3A_11 : i32
    %dma_wait3A_191 = tpu.memref_slice %arg4[%add3A_190, %mul3A_34] : memref<832x16384xf32, #tpu.memory_space<hbm>> -> memref<8x4096xf32, #tpu.memory_space<hbm>>
    %dma_wait3A_192 = tpu.memref_slice %arg4[%add3A_190, %mul3A_34] : memref<832x16384xf32, #tpu.memory_space<hbm>> -> memref<8x4096xf32, #tpu.memory_space<hbm>>
    tpu.wait_dma2 semaphore(%arg10 : memref<!tpu.dma_semaphore, #tpu.memory_space<semaphore_mem>>) src(%arg8 : memref<8x4096xf32, #tpu.memory_space<vmem>>) dst(%dma_wait3A_192 : memref<8x4096xf32, #tpu.memory_space<hbm>>)
    %add3A_193 = arith.constant 320 : i32
    %add3A_194 = arith.addi %add3A_193, %mul3A_11 : i32
    %dma_start3A_195 = tpu.memref_slice %arg3[%add3A_194, %mul3A_34] : memref<832x16384xf32, #tpu.memory_space<hbm>> -> memref<8x4096xf32, #tpu.memory_space<hbm>>
    %dma_start3A_196 = tpu.memref_slice %arg3[%add3A_194, %mul3A_34] : memref<832x16384xf32, #tpu.memory_space<hbm>> -> memref<8x4096xf32, #tpu.memory_space<hbm>>
    tpu.enqueue_dma source(%dma_start3A_196 : memref<8x4096xf32, #tpu.memory_space<hbm>>) target(%arg8 : memref<8x4096xf32, #tpu.memory_space<vmem>>) target_semaphore(%arg9 : memref<!tpu.dma_semaphore, #tpu.memory_space<semaphore_mem>>)
    %add3A_197 = arith.constant 320 : i32
    %add3A_198 = arith.addi %add3A_197, %mul3A_11 : i32
    %dma_wait3A_199 = tpu.memref_slice %arg2[%add3A_198, %mul3A_34] : memref<832x16384xf32, #tpu.memory_space<hbm>> -> memref<8x4096xf32, #tpu.memory_space<hbm>>
    %dma_wait3A_200 = tpu.memref_slice %arg2[%add3A_198, %mul3A_34] : memref<832x16384xf32, #tpu.memory_space<hbm>> -> memref<8x4096xf32, #tpu.memory_space<hbm>>
    tpu.wait_dma2 semaphore(%arg9 : memref<!tpu.dma_semaphore, #tpu.memory_space<semaphore_mem>>) src(%dma_wait3A_200 : memref<8x4096xf32, #tpu.memory_space<hbm>>) dst(%arg7 : memref<8x4096xf32, #tpu.memory_space<vmem>>)
    %add3A_201 = arith.constant 128 : i32
    %add3A_202 = arith.addi %add3A_201, %mul3A_11 : i32
    %dma_start3A_203 = tpu.memref_slice %arg5[%add3A_202, %mul3A_34] : memref<832x16384xf32, #tpu.memory_space<hbm>> -> memref<8x4096xf32, #tpu.memory_space<hbm>>
    %dma_start3A_204 = tpu.memref_slice %arg5[%add3A_202, %mul3A_34] : memref<832x16384xf32, #tpu.memory_space<hbm>> -> memref<8x4096xf32, #tpu.memory_space<hbm>>
    tpu.enqueue_dma source(%arg7 : memref<8x4096xf32, #tpu.memory_space<vmem>>) target(%dma_start3A_204 : memref<8x4096xf32, #tpu.memory_space<hbm>>) target_semaphore(%arg10 : memref<!tpu.dma_semaphore, #tpu.memory_space<semaphore_mem>>)
    %add3A_205 = arith.constant 512 : i32
    %add3A_206 = arith.addi %add3A_205, %mul3A_11 : i32
    %dma_wait3A_207 = tpu.memref_slice %arg5[%add3A_206, %mul3A_34] : memref<832x16384xf32, #tpu.memory_space<hbm>> -> memref<8x4096xf32, #tpu.memory_space<hbm>>
    %dma_wait3A_208 = tpu.memref_slice %arg5[%add3A_206, %mul3A_34] : memref<832x16384xf32, #tpu.memory_space<hbm>> -> memref<8x4096xf32, #tpu.memory_space<hbm>>
    tpu.wait_dma2 semaphore(%arg10 : memref<!tpu.dma_semaphore, #tpu.memory_space<semaphore_mem>>) src(%arg6 : memref<8x4096xf32, #tpu.memory_space<vmem>>) dst(%dma_wait3A_208 : memref<8x4096xf32, #tpu.memory_space<hbm>>)
    %add3A_209 = arith.constant 384 : i32
    %add3A_210 = arith.addi %add3A_209, %mul3A_11 : i32
    %dma_start3A_211 = tpu.memref_slice %arg2[%add3A_210, %mul3A_34] : memref<832x16384xf32, #tpu.memory_space<hbm>> -> memref<8x4096xf32, #tpu.memory_space<hbm>>
    %dma_start3A_212 = tpu.memref_slice %arg2[%add3A_210, %mul3A_34] : memref<832x16384xf32, #tpu.memory_space<hbm>> -> memref<8x4096xf32, #tpu.memory_space<hbm>>
    tpu.enqueue_dma source(%dma_start3A_212 : memref<8x4096xf32, #tpu.memory_space<hbm>>) target(%arg6 : memref<8x4096xf32, #tpu.memory_space<vmem>>) target_semaphore(%arg9 : memref<!tpu.dma_semaphore, #tpu.memory_space<semaphore_mem>>)
    %add3A_213 = arith.constant 320 : i32
    %add3A_214 = arith.addi %add3A_213, %mul3A_11 : i32
    %dma_wait3A_215 = tpu.memref_slice %arg3[%add3A_214, %mul3A_34] : memref<832x16384xf32, #tpu.memory_space<hbm>> -> memref<8x4096xf32, #tpu.memory_space<hbm>>
    %dma_wait3A_216 = tpu.memref_slice %arg3[%add3A_214, %mul3A_34] : memref<832x16384xf32, #tpu.memory_space<hbm>> -> memref<8x4096xf32, #tpu.memory_space<hbm>>
    tpu.wait_dma2 semaphore(%arg9 : memref<!tpu.dma_semaphore, #tpu.memory_space<semaphore_mem>>) src(%dma_wait3A_216 : memref<8x4096xf32, #tpu.memory_space<hbm>>) dst(%arg8 : memref<8x4096xf32, #tpu.memory_space<vmem>>)
    %add3A_217 = arith.constant 576 : i32
    %add3A_218 = arith.addi %add3A_217, %mul3A_11 : i32
    %dma_start3A_219 = tpu.memref_slice %arg4[%add3A_218, %mul3A_34] : memref<832x16384xf32, #tpu.memory_space<hbm>> -> memref<8x4096xf32, #tpu.memory_space<hbm>>
    %dma_start3A_220 = tpu.memref_slice %arg4[%add3A_218, %mul3A_34] : memref<832x16384xf32, #tpu.memory_space<hbm>> -> memref<8x4096xf32, #tpu.memory_space<hbm>>
    tpu.enqueue_dma source(%arg8 : memref<8x4096xf32, #tpu.memory_space<vmem>>) target(%dma_start3A_220 : memref<8x4096xf32, #tpu.memory_space<hbm>>) target_semaphore(%arg10 : memref<!tpu.dma_semaphore, #tpu.memory_space<semaphore_mem>>)
    %add3A_221 = arith.constant 128 : i32
    %add3A_222 = arith.addi %add3A_221, %mul3A_11 : i32
    %dma_wait3A_223 = tpu.memref_slice %arg5[%add3A_222, %mul3A_34] : memref<832x16384xf32, #tpu.memory_space<hbm>> -> memref<8x4096xf32, #tpu.memory_space<hbm>>
    %dma_wait3A_224 = tpu.memref_slice %arg5[%add3A_222, %mul3A_34] : memref<832x16384xf32, #tpu.memory_space<hbm>> -> memref<8x4096xf32, #tpu.memory_space<hbm>>
    tpu.wait_dma2 semaphore(%arg10 : memref<!tpu.dma_semaphore, #tpu.memory_space<semaphore_mem>>) src(%arg7 : memref<8x4096xf32, #tpu.memory_space<vmem>>) dst(%dma_wait3A_224 : memref<8x4096xf32, #tpu.memory_space<hbm>>)
    %add3A_225 = arith.constant 384 : i32
    %add3A_226 = arith.addi %add3A_225, %mul3A_11 : i32
    %dma_start3A_227 = tpu.memref_slice %arg3[%add3A_226, %mul3A_34] : memref<832x16384xf32, #tpu.memory_space<hbm>> -> memref<8x4096xf32, #tpu.memory_space<hbm>>
    %dma_start3A_228 = tpu.memref_slice %arg3[%add3A_226, %mul3A_34] : memref<832x16384xf32, #tpu.memory_space<hbm>> -> memref<8x4096xf32, #tpu.memory_space<hbm>>
    tpu.enqueue_dma source(%dma_start3A_228 : memref<8x4096xf32, #tpu.memory_space<hbm>>) target(%arg7 : memref<8x4096xf32, #tpu.memory_space<vmem>>) target_semaphore(%arg9 : memref<!tpu.dma_semaphore, #tpu.memory_space<semaphore_mem>>)
    %add3A_229 = arith.constant 384 : i32
    %add3A_230 = arith.addi %add3A_229, %mul3A_11 : i32
    %dma_wait3A_231 = tpu.memref_slice %arg2[%add3A_230, %mul3A_34] : memref<832x16384xf32, #tpu.memory_space<hbm>> -> memref<8x4096xf32, #tpu.memory_space<hbm>>
    %dma_wait3A_232 = tpu.memref_slice %arg2[%add3A_230, %mul3A_34] : memref<832x16384xf32, #tpu.memory_space<hbm>> -> memref<8x4096xf32, #tpu.memory_space<hbm>>
    tpu.wait_dma2 semaphore(%arg9 : memref<!tpu.dma_semaphore, #tpu.memory_space<semaphore_mem>>) src(%dma_wait3A_232 : memref<8x4096xf32, #tpu.memory_space<hbm>>) dst(%arg6 : memref<8x4096xf32, #tpu.memory_space<vmem>>)
    %add3A_233 = arith.constant 192 : i32
    %add3A_234 = arith.addi %add3A_233, %mul3A_11 : i32
    %dma_start3A_235 = tpu.memref_slice %arg4[%add3A_234, %mul3A_34] : memref<832x16384xf32, #tpu.memory_space<hbm>> -> memref<8x4096xf32, #tpu.memory_space<hbm>>
    %dma_start3A_236 = tpu.memref_slice %arg4[%add3A_234, %mul3A_34] : memref<832x16384xf32, #tpu.memory_space<hbm>> -> memref<8x4096xf32, #tpu.memory_space<hbm>>
    tpu.enqueue_dma source(%arg6 : memref<8x4096xf32, #tpu.memory_space<vmem>>) target(%dma_start3A_236 : memref<8x4096xf32, #tpu.memory_space<hbm>>) target_semaphore(%arg10 : memref<!tpu.dma_semaphore, #tpu.memory_space<semaphore_mem>>)
    %add3A_237 = arith.constant 576 : i32
    %add3A_238 = arith.addi %add3A_237, %mul3A_11 : i32
    %dma_wait3A_239 = tpu.memref_slice %arg4[%add3A_238, %mul3A_34] : memref<832x16384xf32, #tpu.memory_space<hbm>> -> memref<8x4096xf32, #tpu.memory_space<hbm>>
    %dma_wait3A_240 = tpu.memref_slice %arg4[%add3A_238, %mul3A_34] : memref<832x16384xf32, #tpu.memory_space<hbm>> -> memref<8x4096xf32, #tpu.memory_space<hbm>>
    tpu.wait_dma2 semaphore(%arg10 : memref<!tpu.dma_semaphore, #tpu.memory_space<semaphore_mem>>) src(%arg8 : memref<8x4096xf32, #tpu.memory_space<vmem>>) dst(%dma_wait3A_240 : memref<8x4096xf32, #tpu.memory_space<hbm>>)
    %add3A_241 = arith.constant 448 : i32
    %add3A_242 = arith.addi %add3A_241, %mul3A_11 : i32
    %dma_start3A_243 = tpu.memref_slice %arg2[%add3A_242, %mul3A_34] : memref<832x16384xf32, #tpu.memory_space<hbm>> -> memref<8x4096xf32, #tpu.memory_space<hbm>>
    %dma_start3A_244 = tpu.memref_slice %arg2[%add3A_242, %mul3A_34] : memref<832x16384xf32, #tpu.memory_space<hbm>> -> memref<8x4096xf32, #tpu.memory_space<hbm>>
    tpu.enqueue_dma source(%dma_start3A_244 : memref<8x4096xf32, #tpu.memory_space<hbm>>) target(%arg8 : memref<8x4096xf32, #tpu.memory_space<vmem>>) target_semaphore(%arg9 : memref<!tpu.dma_semaphore, #tpu.memory_space<semaphore_mem>>)
    %add3A_245 = arith.constant 384 : i32
    %add3A_246 = arith.addi %add3A_245, %mul3A_11 : i32
    %dma_wait3A_247 = tpu.memref_slice %arg3[%add3A_246, %mul3A_34] : memref<832x16384xf32, #tpu.memory_space<hbm>> -> memref<8x4096xf32, #tpu.memory_space<hbm>>
    %dma_wait3A_248 = tpu.memref_slice %arg3[%add3A_246, %mul3A_34] : memref<832x16384xf32, #tpu.memory_space<hbm>> -> memref<8x4096xf32, #tpu.memory_space<hbm>>
    tpu.wait_dma2 semaphore(%arg9 : memref<!tpu.dma_semaphore, #tpu.memory_space<semaphore_mem>>) src(%dma_wait3A_248 : memref<8x4096xf32, #tpu.memory_space<hbm>>) dst(%arg7 : memref<8x4096xf32, #tpu.memory_space<vmem>>)
    %add3A_249 = arith.constant 576 : i32
    %add3A_250 = arith.addi %add3A_249, %mul3A_11 : i32
    %dma_start3A_251 = tpu.memref_slice %arg5[%add3A_250, %mul3A_34] : memref<832x16384xf32, #tpu.memory_space<hbm>> -> memref<8x4096xf32, #tpu.memory_space<hbm>>
    %dma_start3A_252 = tpu.memref_slice %arg5[%add3A_250, %mul3A_34] : memref<832x16384xf32, #tpu.memory_space<hbm>> -> memref<8x4096xf32, #tpu.memory_space<hbm>>
    tpu.enqueue_dma source(%arg7 : memref<8x4096xf32, #tpu.memory_space<vmem>>) target(%dma_start3A_252 : memref<8x4096xf32, #tpu.memory_space<hbm>>) target_semaphore(%arg10 : memref<!tpu.dma_semaphore, #tpu.memory_space<semaphore_mem>>)
    %add3A_253 = arith.constant 192 : i32
    %add3A_254 = arith.addi %add3A_253, %mul3A_11 : i32
    %dma_wait3A_255 = tpu.memref_slice %arg4[%add3A_254, %mul3A_34] : memref<832x16384xf32, #tpu.memory_space<hbm>> -> memref<8x4096xf32, #tpu.memory_space<hbm>>
    %dma_wait3A_256 = tpu.memref_slice %arg4[%add3A_254, %mul3A_34] : memref<832x16384xf32, #tpu.memory_space<hbm>> -> memref<8x4096xf32, #tpu.memory_space<hbm>>
    tpu.wait_dma2 semaphore(%arg10 : memref<!tpu.dma_semaphore, #tpu.memory_space<semaphore_mem>>) src(%arg6 : memref<8x4096xf32, #tpu.memory_space<vmem>>) dst(%dma_wait3A_256 : memref<8x4096xf32, #tpu.memory_space<hbm>>)
    %add3A_257 = arith.constant 448 : i32
    %add3A_258 = arith.addi %add3A_257, %mul3A_11 : i32
    %dma_start3A_259 = tpu.memref_slice %arg3[%add3A_258, %mul3A_34] : memref<832x16384xf32, #tpu.memory_space<hbm>> -> memref<8x4096xf32, #tpu.memory_space<hbm>>
    %dma_start3A_260 = tpu.memref_slice %arg3[%add3A_258, %mul3A_34] : memref<832x16384xf32, #tpu.memory_space<hbm>> -> memref<8x4096xf32, #tpu.memory_space<hbm>>
    tpu.enqueue_dma source(%dma_start3A_260 : memref<8x4096xf32, #tpu.memory_space<hbm>>) target(%arg6 : memref<8x4096xf32, #tpu.memory_space<vmem>>) target_semaphore(%arg9 : memref<!tpu.dma_semaphore, #tpu.memory_space<semaphore_mem>>)
    %add3A_261 = arith.constant 448 : i32
    %add3A_262 = arith.addi %add3A_261, %mul3A_11 : i32
    %dma_wait3A_263 = tpu.memref_slice %arg2[%add3A_262, %mul3A_34] : memref<832x16384xf32, #tpu.memory_space<hbm>> -> memref<8x4096xf32, #tpu.memory_space<hbm>>
    %dma_wait3A_264 = tpu.memref_slice %arg2[%add3A_262, %mul3A_34] : memref<832x16384xf32, #tpu.memory_space<hbm>> -> memref<8x4096xf32, #tpu.memory_space<hbm>>
    tpu.wait_dma2 semaphore(%arg9 : memref<!tpu.dma_semaphore, #tpu.memory_space<semaphore_mem>>) src(%dma_wait3A_264 : memref<8x4096xf32, #tpu.memory_space<hbm>>) dst(%arg8 : memref<8x4096xf32, #tpu.memory_space<vmem>>)
    %add3A_265 = arith.constant 192 : i32
    %add3A_266 = arith.addi %add3A_265, %mul3A_11 : i32
    %dma_start3A_267 = tpu.memref_slice %arg5[%add3A_266, %mul3A_34] : memref<832x16384xf32, #tpu.memory_space<hbm>> -> memref<8x4096xf32, #tpu.memory_space<hbm>>
    %dma_start3A_268 = tpu.memref_slice %arg5[%add3A_266, %mul3A_34] : memref<832x16384xf32, #tpu.memory_space<hbm>> -> memref<8x4096xf32, #tpu.memory_space<hbm>>
    tpu.enqueue_dma source(%arg8 : memref<8x4096xf32, #tpu.memory_space<vmem>>) target(%dma_start3A_268 : memref<8x4096xf32, #tpu.memory_space<hbm>>) target_semaphore(%arg10 : memref<!tpu.dma_semaphore, #tpu.memory_space<semaphore_mem>>)
    %add3A_269 = arith.constant 576 : i32
    %add3A_270 = arith.addi %add3A_269, %mul3A_11 : i32
    %dma_wait3A_271 = tpu.memref_slice %arg5[%add3A_270, %mul3A_34] : memref<832x16384xf32, #tpu.memory_space<hbm>> -> memref<8x4096xf32, #tpu.memory_space<hbm>>
    %dma_wait3A_272 = tpu.memref_slice %arg5[%add3A_270, %mul3A_34] : memref<832x16384xf32, #tpu.memory_space<hbm>> -> memref<8x4096xf32, #tpu.memory_space<hbm>>
    tpu.wait_dma2 semaphore(%arg10 : memref<!tpu.dma_semaphore, #tpu.memory_space<semaphore_mem>>) src(%arg7 : memref<8x4096xf32, #tpu.memory_space<vmem>>) dst(%dma_wait3A_272 : memref<8x4096xf32, #tpu.memory_space<hbm>>)
    %add3A_273 = arith.constant 512 : i32
    %add3A_274 = arith.addi %add3A_273, %mul3A_11 : i32
    %dma_start3A_275 = tpu.memref_slice %arg2[%add3A_274, %mul3A_34] : memref<832x16384xf32, #tpu.memory_space<hbm>> -> memref<8x4096xf32, #tpu.memory_space<hbm>>
    %dma_start3A_276 = tpu.memref_slice %arg2[%add3A_274, %mul3A_34] : memref<832x16384xf32, #tpu.memory_space<hbm>> -> memref<8x4096xf32, #tpu.memory_space<hbm>>
    tpu.enqueue_dma source(%dma_start3A_276 : memref<8x4096xf32, #tpu.memory_space<hbm>>) target(%arg7 : memref<8x4096xf32, #tpu.memory_space<vmem>>) target_semaphore(%arg9 : memref<!tpu.dma_semaphore, #tpu.memory_space<semaphore_mem>>)
    %add3A_277 = arith.constant 448 : i32
    %add3A_278 = arith.addi %add3A_277, %mul3A_11 : i32
    %dma_wait3A_279 = tpu.memref_slice %arg3[%add3A_278, %mul3A_34] : memref<832x16384xf32, #tpu.memory_space<hbm>> -> memref<8x4096xf32, #tpu.memory_space<hbm>>
    %dma_wait3A_280 = tpu.memref_slice %arg3[%add3A_278, %mul3A_34] : memref<832x16384xf32, #tpu.memory_space<hbm>> -> memref<8x4096xf32, #tpu.memory_space<hbm>>
    tpu.wait_dma2 semaphore(%arg9 : memref<!tpu.dma_semaphore, #tpu.memory_space<semaphore_mem>>) src(%dma_wait3A_280 : memref<8x4096xf32, #tpu.memory_space<hbm>>) dst(%arg6 : memref<8x4096xf32, #tpu.memory_space<vmem>>)
    %add3A_281 = arith.constant 640 : i32
    %add3A_282 = arith.addi %add3A_281, %mul3A_11 : i32
    %dma_start3A_283 = tpu.memref_slice %arg4[%add3A_282, %mul3A_34] : memref<832x16384xf32, #tpu.memory_space<hbm>> -> memref<8x4096xf32, #tpu.memory_space<hbm>>
    %dma_start3A_284 = tpu.memref_slice %arg4[%add3A_282, %mul3A_34] : memref<832x16384xf32, #tpu.memory_space<hbm>> -> memref<8x4096xf32, #tpu.memory_space<hbm>>
    tpu.enqueue_dma source(%arg6 : memref<8x4096xf32, #tpu.memory_space<vmem>>) target(%dma_start3A_284 : memref<8x4096xf32, #tpu.memory_space<hbm>>) target_semaphore(%arg10 : memref<!tpu.dma_semaphore, #tpu.memory_space<semaphore_mem>>)
    %add3A_285 = arith.constant 192 : i32
    %add3A_286 = arith.addi %add3A_285, %mul3A_11 : i32
    %dma_wait3A_287 = tpu.memref_slice %arg5[%add3A_286, %mul3A_34] : memref<832x16384xf32, #tpu.memory_space<hbm>> -> memref<8x4096xf32, #tpu.memory_space<hbm>>
    %dma_wait3A_288 = tpu.memref_slice %arg5[%add3A_286, %mul3A_34] : memref<832x16384xf32, #tpu.memory_space<hbm>> -> memref<8x4096xf32, #tpu.memory_space<hbm>>
    tpu.wait_dma2 semaphore(%arg10 : memref<!tpu.dma_semaphore, #tpu.memory_space<semaphore_mem>>) src(%arg8 : memref<8x4096xf32, #tpu.memory_space<vmem>>) dst(%dma_wait3A_288 : memref<8x4096xf32, #tpu.memory_space<hbm>>)
    %add3A_289 = arith.constant 512 : i32
    %add3A_290 = arith.addi %add3A_289, %mul3A_11 : i32
    %dma_start3A_291 = tpu.memref_slice %arg3[%add3A_290, %mul3A_34] : memref<832x16384xf32, #tpu.memory_space<hbm>> -> memref<8x4096xf32, #tpu.memory_space<hbm>>
    %dma_start3A_292 = tpu.memref_slice %arg3[%add3A_290, %mul3A_34] : memref<832x16384xf32, #tpu.memory_space<hbm>> -> memref<8x4096xf32, #tpu.memory_space<hbm>>
    tpu.enqueue_dma source(%dma_start3A_292 : memref<8x4096xf32, #tpu.memory_space<hbm>>) target(%arg8 : memref<8x4096xf32, #tpu.memory_space<vmem>>) target_semaphore(%arg9 : memref<!tpu.dma_semaphore, #tpu.memory_space<semaphore_mem>>)
    %add3A_293 = arith.constant 512 : i32
    %add3A_294 = arith.addi %add3A_293, %mul3A_11 : i32
    %dma_wait3A_295 = tpu.memref_slice %arg2[%add3A_294, %mul3A_34] : memref<832x16384xf32, #tpu.memory_space<hbm>> -> memref<8x4096xf32, #tpu.memory_space<hbm>>
    %dma_wait3A_296 = tpu.memref_slice %arg2[%add3A_294, %mul3A_34] : memref<832x16384xf32, #tpu.memory_space<hbm>> -> memref<8x4096xf32, #tpu.memory_space<hbm>>
    tpu.wait_dma2 semaphore(%arg9 : memref<!tpu.dma_semaphore, #tpu.memory_space<semaphore_mem>>) src(%dma_wait3A_296 : memref<8x4096xf32, #tpu.memory_space<hbm>>) dst(%arg7 : memref<8x4096xf32, #tpu.memory_space<vmem>>)
    %add3A_297 = arith.constant 256 : i32
    %add3A_298 = arith.addi %add3A_297, %mul3A_11 : i32
    %dma_start3A_299 = tpu.memref_slice %arg4[%add3A_298, %mul3A_34] : memref<832x16384xf32, #tpu.memory_space<hbm>> -> memref<8x4096xf32, #tpu.memory_space<hbm>>
    %dma_start3A_300 = tpu.memref_slice %arg4[%add3A_298, %mul3A_34] : memref<832x16384xf32, #tpu.memory_space<hbm>> -> memref<8x4096xf32, #tpu.memory_space<hbm>>
    tpu.enqueue_dma source(%arg7 : memref<8x4096xf32, #tpu.memory_space<vmem>>) target(%dma_start3A_300 : memref<8x4096xf32, #tpu.memory_space<hbm>>) target_semaphore(%arg10 : memref<!tpu.dma_semaphore, #tpu.memory_space<semaphore_mem>>)
    %add3A_301 = arith.constant 640 : i32
    %add3A_302 = arith.addi %add3A_301, %mul3A_11 : i32
    %dma_wait3A_303 = tpu.memref_slice %arg4[%add3A_302, %mul3A_34] : memref<832x16384xf32, #tpu.memory_space<hbm>> -> memref<8x4096xf32, #tpu.memory_space<hbm>>
    %dma_wait3A_304 = tpu.memref_slice %arg4[%add3A_302, %mul3A_34] : memref<832x16384xf32, #tpu.memory_space<hbm>> -> memref<8x4096xf32, #tpu.memory_space<hbm>>
    tpu.wait_dma2 semaphore(%arg10 : memref<!tpu.dma_semaphore, #tpu.memory_space<semaphore_mem>>) src(%arg6 : memref<8x4096xf32, #tpu.memory_space<vmem>>) dst(%dma_wait3A_304 : memref<8x4096xf32, #tpu.memory_space<hbm>>)
    %add3A_305 = arith.constant 576 : i32
    %add3A_306 = arith.addi %add3A_305, %mul3A_11 : i32
    %dma_start3A_307 = tpu.memref_slice %arg2[%add3A_306, %mul3A_34] : memref<832x16384xf32, #tpu.memory_space<hbm>> -> memref<8x4096xf32, #tpu.memory_space<hbm>>
    %dma_start3A_308 = tpu.memref_slice %arg2[%add3A_306, %mul3A_34] : memref<832x16384xf32, #tpu.memory_space<hbm>> -> memref<8x4096xf32, #tpu.memory_space<hbm>>
    tpu.enqueue_dma source(%dma_start3A_308 : memref<8x4096xf32, #tpu.memory_space<hbm>>) target(%arg6 : memref<8x4096xf32, #tpu.memory_space<vmem>>) target_semaphore(%arg9 : memref<!tpu.dma_semaphore, #tpu.memory_space<semaphore_mem>>)
    %add3A_309 = arith.constant 512 : i32
    %add3A_310 = arith.addi %add3A_309, %mul3A_11 : i32
    %dma_wait3A_311 = tpu.memref_slice %arg3[%add3A_310, %mul3A_34] : memref<832x16384xf32, #tpu.memory_space<hbm>> -> memref<8x4096xf32, #tpu.memory_space<hbm>>
    %dma_wait3A_312 = tpu.memref_slice %arg3[%add3A_310, %mul3A_34] : memref<832x16384xf32, #tpu.memory_space<hbm>> -> memref<8x4096xf32, #tpu.memory_space<hbm>>
    tpu.wait_dma2 semaphore(%arg9 : memref<!tpu.dma_semaphore, #tpu.memory_space<semaphore_mem>>) src(%dma_wait3A_312 : memref<8x4096xf32, #tpu.memory_space<hbm>>) dst(%arg8 : memref<8x4096xf32, #tpu.memory_space<vmem>>)
    %add3A_313 = arith.constant 640 : i32
    %add3A_314 = arith.addi %add3A_313, %mul3A_11 : i32
    %dma_start3A_315 = tpu.memref_slice %arg5[%add3A_314, %mul3A_34] : memref<832x16384xf32, #tpu.memory_space<hbm>> -> memref<8x4096xf32, #tpu.memory_space<hbm>>
    %dma_start3A_316 = tpu.memref_slice %arg5[%add3A_314, %mul3A_34] : memref<832x16384xf32, #tpu.memory_space<hbm>> -> memref<8x4096xf32, #tpu.memory_space<hbm>>
    tpu.enqueue_dma source(%arg8 : memref<8x4096xf32, #tpu.memory_space<vmem>>) target(%dma_start3A_316 : memref<8x4096xf32, #tpu.memory_space<hbm>>) target_semaphore(%arg10 : memref<!tpu.dma_semaphore, #tpu.memory_space<semaphore_mem>>)
    %add3A_317 = arith.constant 256 : i32
    %add3A_318 = arith.addi %add3A_317, %mul3A_11 : i32
    %dma_wait3A_319 = tpu.memref_slice %arg4[%add3A_318, %mul3A_34] : memref<832x16384xf32, #tpu.memory_space<hbm>> -> memref<8x4096xf32, #tpu.memory_space<hbm>>
    %dma_wait3A_320 = tpu.memref_slice %arg4[%add3A_318, %mul3A_34] : memref<832x16384xf32, #tpu.memory_space<hbm>> -> memref<8x4096xf32, #tpu.memory_space<hbm>>
    tpu.wait_dma2 semaphore(%arg10 : memref<!tpu.dma_semaphore, #tpu.memory_space<semaphore_mem>>) src(%arg7 : memref<8x4096xf32, #tpu.memory_space<vmem>>) dst(%dma_wait3A_320 : memref<8x4096xf32, #tpu.memory_space<hbm>>)
    %add3A_321 = arith.constant 576 : i32
    %add3A_322 = arith.addi %add3A_321, %mul3A_11 : i32
    %dma_start3A_323 = tpu.memref_slice %arg3[%add3A_322, %mul3A_34] : memref<832x16384xf32, #tpu.memory_space<hbm>> -> memref<8x4096xf32, #tpu.memory_space<hbm>>
    %dma_start3A_324 = tpu.memref_slice %arg3[%add3A_322, %mul3A_34] : memref<832x16384xf32, #tpu.memory_space<hbm>> -> memref<8x4096xf32, #tpu.memory_space<hbm>>
    tpu.enqueue_dma source(%dma_start3A_324 : memref<8x4096xf32, #tpu.memory_space<hbm>>) target(%arg7 : memref<8x4096xf32, #tpu.memory_space<vmem>>) target_semaphore(%arg9 : memref<!tpu.dma_semaphore, #tpu.memory_space<semaphore_mem>>)
    %add3A_325 = arith.constant 576 : i32
    %add3A_326 = arith.addi %add3A_325, %mul3A_11 : i32
    %dma_wait3A_327 = tpu.memref_slice %arg2[%add3A_326, %mul3A_34] : memref<832x16384xf32, #tpu.memory_space<hbm>> -> memref<8x4096xf32, #tpu.memory_space<hbm>>
    %dma_wait3A_328 = tpu.memref_slice %arg2[%add3A_326, %mul3A_34] : memref<832x16384xf32, #tpu.memory_space<hbm>> -> memref<8x4096xf32, #tpu.memory_space<hbm>>
    tpu.wait_dma2 semaphore(%arg9 : memref<!tpu.dma_semaphore, #tpu.memory_space<semaphore_mem>>) src(%dma_wait3A_328 : memref<8x4096xf32, #tpu.memory_space<hbm>>) dst(%arg6 : memref<8x4096xf32, #tpu.memory_space<vmem>>)
    %add3A_329 = arith.constant 256 : i32
    %add3A_330 = arith.addi %add3A_329, %mul3A_11 : i32
    %dma_start3A_331 = tpu.memref_slice %arg5[%add3A_330, %mul3A_34] : memref<832x16384xf32, #tpu.memory_space<hbm>> -> memref<8x4096xf32, #tpu.memory_space<hbm>>
    %dma_start3A_332 = tpu.memref_slice %arg5[%add3A_330, %mul3A_34] : memref<832x16384xf32, #tpu.memory_space<hbm>> -> memref<8x4096xf32, #tpu.memory_space<hbm>>
    tpu.enqueue_dma source(%arg6 : memref<8x4096xf32, #tpu.memory_space<vmem>>) target(%dma_start3A_332 : memref<8x4096xf32, #tpu.memory_space<hbm>>) target_semaphore(%arg10 : memref<!tpu.dma_semaphore, #tpu.memory_space<semaphore_mem>>)
    %add3A_333 = arith.constant 640 : i32
    %add3A_334 = arith.addi %add3A_333, %mul3A_11 : i32
    %dma_wait3A_335 = tpu.memref_slice %arg5[%add3A_334, %mul3A_34] : memref<832x16384xf32, #tpu.memory_space<hbm>> -> memref<8x4096xf32, #tpu.memory_space<hbm>>
    %dma_wait3A_336 = tpu.memref_slice %arg5[%add3A_334, %mul3A_34] : memref<832x16384xf32, #tpu.memory_space<hbm>> -> memref<8x4096xf32, #tpu.memory_space<hbm>>
    tpu.wait_dma2 semaphore(%arg10 : memref<!tpu.dma_semaphore, #tpu.memory_space<semaphore_mem>>) src(%arg8 : memref<8x4096xf32, #tpu.memory_space<vmem>>) dst(%dma_wait3A_336 : memref<8x4096xf32, #tpu.memory_space<hbm>>)
    %add3A_337 = arith.constant 640 : i32
    %add3A_338 = arith.addi %add3A_337, %mul3A_11 : i32
    %dma_start3A_339 = tpu.memref_slice %arg2[%add3A_338, %mul3A_34] : memref<832x16384xf32, #tpu.memory_space<hbm>> -> memref<8x4096xf32, #tpu.memory_space<hbm>>
    %dma_start3A_340 = tpu.memref_slice %arg2[%add3A_338, %mul3A_34] : memref<832x16384xf32, #tpu.memory_space<hbm>> -> memref<8x4096xf32, #tpu.memory_space<hbm>>
    tpu.enqueue_dma source(%dma_start3A_340 : memref<8x4096xf32, #tpu.memory_space<hbm>>) target(%arg8 : memref<8x4096xf32, #tpu.memory_space<vmem>>) target_semaphore(%arg9 : memref<!tpu.dma_semaphore, #tpu.memory_space<semaphore_mem>>)
    %add3A_341 = arith.constant 576 : i32
    %add3A_342 = arith.addi %add3A_341, %mul3A_11 : i32
    %dma_wait3A_343 = tpu.memref_slice %arg3[%add3A_342, %mul3A_34] : memref<832x16384xf32, #tpu.memory_space<hbm>> -> memref<8x4096xf32, #tpu.memory_space<hbm>>
    %dma_wait3A_344 = tpu.memref_slice %arg3[%add3A_342, %mul3A_34] : memref<832x16384xf32, #tpu.memory_space<hbm>> -> memref<8x4096xf32, #tpu.memory_space<hbm>>
    tpu.wait_dma2 semaphore(%arg9 : memref<!tpu.dma_semaphore, #tpu.memory_space<semaphore_mem>>) src(%dma_wait3A_344 : memref<8x4096xf32, #tpu.memory_space<hbm>>) dst(%arg7 : memref<8x4096xf32, #tpu.memory_space<vmem>>)
    %add3A_345 = arith.constant 704 : i32
    %add3A_346 = arith.addi %add3A_345, %mul3A_11 : i32
    %dma_start3A_347 = tpu.memref_slice %arg4[%add3A_346, %mul3A_34] : memref<832x16384xf32, #tpu.memory_space<hbm>> -> memref<8x4096xf32, #tpu.memory_space<hbm>>
    %dma_start3A_348 = tpu.memref_slice %arg4[%add3A_346, %mul3A_34] : memref<832x16384xf32, #tpu.memory_space<hbm>> -> memref<8x4096xf32, #tpu.memory_space<hbm>>
    tpu.enqueue_dma source(%arg7 : memref<8x4096xf32, #tpu.memory_space<vmem>>) target(%dma_start3A_348 : memref<8x4096xf32, #tpu.memory_space<hbm>>) target_semaphore(%arg10 : memref<!tpu.dma_semaphore, #tpu.memory_space<semaphore_mem>>)
    %add3A_349 = arith.constant 256 : i32
    %add3A_350 = arith.addi %add3A_349, %mul3A_11 : i32
    %dma_wait3A_351 = tpu.memref_slice %arg5[%add3A_350, %mul3A_34] : memref<832x16384xf32, #tpu.memory_space<hbm>> -> memref<8x4096xf32, #tpu.memory_space<hbm>>
    %dma_wait3A_352 = tpu.memref_slice %arg5[%add3A_350, %mul3A_34] : memref<832x16384xf32, #tpu.memory_space<hbm>> -> memref<8x4096xf32, #tpu.memory_space<hbm>>
    tpu.wait_dma2 semaphore(%arg10 : memref<!tpu.dma_semaphore, #tpu.memory_space<semaphore_mem>>) src(%arg6 : memref<8x4096xf32, #tpu.memory_space<vmem>>) dst(%dma_wait3A_352 : memref<8x4096xf32, #tpu.memory_space<hbm>>)
    %add3A_353 = arith.constant 640 : i32
    %add3A_354 = arith.addi %add3A_353, %mul3A_11 : i32
    %dma_start3A_355 = tpu.memref_slice %arg3[%add3A_354, %mul3A_34] : memref<832x16384xf32, #tpu.memory_space<hbm>> -> memref<8x4096xf32, #tpu.memory_space<hbm>>
    %dma_start3A_356 = tpu.memref_slice %arg3[%add3A_354, %mul3A_34] : memref<832x16384xf32, #tpu.memory_space<hbm>> -> memref<8x4096xf32, #tpu.memory_space<hbm>>
    tpu.enqueue_dma source(%dma_start3A_356 : memref<8x4096xf32, #tpu.memory_space<hbm>>) target(%arg6 : memref<8x4096xf32, #tpu.memory_space<vmem>>) target_semaphore(%arg9 : memref<!tpu.dma_semaphore, #tpu.memory_space<semaphore_mem>>)
    %add3A_357 = arith.constant 640 : i32
    %add3A_358 = arith.addi %add3A_357, %mul3A_11 : i32
    %dma_wait3A_359 = tpu.memref_slice %arg2[%add3A_358, %mul3A_34] : memref<832x16384xf32, #tpu.memory_space<hbm>> -> memref<8x4096xf32, #tpu.memory_space<hbm>>
    %dma_wait3A_360 = tpu.memref_slice %arg2[%add3A_358, %mul3A_34] : memref<832x16384xf32, #tpu.memory_space<hbm>> -> memref<8x4096xf32, #tpu.memory_space<hbm>>
    tpu.wait_dma2 semaphore(%arg9 : memref<!tpu.dma_semaphore, #tpu.memory_space<semaphore_mem>>) src(%dma_wait3A_360 : memref<8x4096xf32, #tpu.memory_space<hbm>>) dst(%arg8 : memref<8x4096xf32, #tpu.memory_space<vmem>>)
    %add3A_361 = arith.constant 320 : i32
    %add3A_362 = arith.addi %add3A_361, %mul3A_11 : i32
    %dma_start3A_363 = tpu.memref_slice %arg4[%add3A_362, %mul3A_34] : memref<832x16384xf32, #tpu.memory_space<hbm>> -> memref<8x4096xf32, #tpu.memory_space<hbm>>
    %dma_start3A_364 = tpu.memref_slice %arg4[%add3A_362, %mul3A_34] : memref<832x16384xf32, #tpu.memory_space<hbm>> -> memref<8x4096xf32, #tpu.memory_space<hbm>>
    tpu.enqueue_dma source(%arg8 : memref<8x4096xf32, #tpu.memory_space<vmem>>) target(%dma_start3A_364 : memref<8x4096xf32, #tpu.memory_space<hbm>>) target_semaphore(%arg10 : memref<!tpu.dma_semaphore, #tpu.memory_space<semaphore_mem>>)
    %add3A_365 = arith.constant 704 : i32
    %add3A_366 = arith.addi %add3A_365, %mul3A_11 : i32
    %dma_wait3A_367 = tpu.memref_slice %arg4[%add3A_366, %mul3A_34] : memref<832x16384xf32, #tpu.memory_space<hbm>> -> memref<8x4096xf32, #tpu.memory_space<hbm>>
    %dma_wait3A_368 = tpu.memref_slice %arg4[%add3A_366, %mul3A_34] : memref<832x16384xf32, #tpu.memory_space<hbm>> -> memref<8x4096xf32, #tpu.memory_space<hbm>>
    tpu.wait_dma2 semaphore(%arg10 : memref<!tpu.dma_semaphore, #tpu.memory_space<semaphore_mem>>) src(%arg7 : memref<8x4096xf32, #tpu.memory_space<vmem>>) dst(%dma_wait3A_368 : memref<8x4096xf32, #tpu.memory_space<hbm>>)
    %add3A_369 = arith.constant 704 : i32
    %add3A_370 = arith.addi %add3A_369, %mul3A_11 : i32
    %dma_start3A_371 = tpu.memref_slice %arg2[%add3A_370, %mul3A_34] : memref<832x16384xf32, #tpu.memory_space<hbm>> -> memref<8x4096xf32, #tpu.memory_space<hbm>>
    %dma_start3A_372 = tpu.memref_slice %arg2[%add3A_370, %mul3A_34] : memref<832x16384xf32, #tpu.memory_space<hbm>> -> memref<8x4096xf32, #tpu.memory_space<hbm>>
    tpu.enqueue_dma source(%dma_start3A_372 : memref<8x4096xf32, #tpu.memory_space<hbm>>) target(%arg7 : memref<8x4096xf32, #tpu.memory_space<vmem>>) target_semaphore(%arg9 : memref<!tpu.dma_semaphore, #tpu.memory_space<semaphore_mem>>)
    %add3A_373 = arith.constant 640 : i32
    %add3A_374 = arith.addi %add3A_373, %mul3A_11 : i32
    %dma_wait3A_375 = tpu.memref_slice %arg3[%add3A_374, %mul3A_34] : memref<832x16384xf32, #tpu.memory_space<hbm>> -> memref<8x4096xf32, #tpu.memory_space<hbm>>
    %dma_wait3A_376 = tpu.memref_slice %arg3[%add3A_374, %mul3A_34] : memref<832x16384xf32, #tpu.memory_space<hbm>> -> memref<8x4096xf32, #tpu.memory_space<hbm>>
    tpu.wait_dma2 semaphore(%arg9 : memref<!tpu.dma_semaphore, #tpu.memory_space<semaphore_mem>>) src(%dma_wait3A_376 : memref<8x4096xf32, #tpu.memory_space<hbm>>) dst(%arg6 : memref<8x4096xf32, #tpu.memory_space<vmem>>)
    %add3A_377 = arith.constant 704 : i32
    %add3A_378 = arith.addi %add3A_377, %mul3A_11 : i32
    %dma_start3A_379 = tpu.memref_slice %arg5[%add3A_378, %mul3A_34] : memref<832x16384xf32, #tpu.memory_space<hbm>> -> memref<8x4096xf32, #tpu.memory_space<hbm>>
    %dma_start3A_380 = tpu.memref_slice %arg5[%add3A_378, %mul3A_34] : memref<832x16384xf32, #tpu.memory_space<hbm>> -> memref<8x4096xf32, #tpu.memory_space<hbm>>
    tpu.enqueue_dma source(%arg6 : memref<8x4096xf32, #tpu.memory_space<vmem>>) target(%dma_start3A_380 : memref<8x4096xf32, #tpu.memory_space<hbm>>) target_semaphore(%arg10 : memref<!tpu.dma_semaphore, #tpu.memory_space<semaphore_mem>>)
    %add3A_381 = arith.constant 320 : i32
    %add3A_382 = arith.addi %add3A_381, %mul3A_11 : i32
    %dma_wait3A_383 = tpu.memref_slice %arg4[%add3A_382, %mul3A_34] : memref<832x16384xf32, #tpu.memory_space<hbm>> -> memref<8x4096xf32, #tpu.memory_space<hbm>>
    %dma_wait3A_384 = tpu.memref_slice %arg4[%add3A_382, %mul3A_34] : memref<832x16384xf32, #tpu.memory_space<hbm>> -> memref<8x4096xf32, #tpu.memory_space<hbm>>
    tpu.wait_dma2 semaphore(%arg10 : memref<!tpu.dma_semaphore, #tpu.memory_space<semaphore_mem>>) src(%arg8 : memref<8x4096xf32, #tpu.memory_space<vmem>>) dst(%dma_wait3A_384 : memref<8x4096xf32, #tpu.memory_space<hbm>>)
    %add3A_385 = arith.constant 704 : i32
    %add3A_386 = arith.addi %add3A_385, %mul3A_11 : i32
    %dma_start3A_387 = tpu.memref_slice %arg3[%add3A_386, %mul3A_34] : memref<832x16384xf32, #tpu.memory_space<hbm>> -> memref<8x4096xf32, #tpu.memory_space<hbm>>
    %dma_start3A_388 = tpu.memref_slice %arg3[%add3A_386, %mul3A_34] : memref<832x16384xf32, #tpu.memory_space<hbm>> -> memref<8x4096xf32, #tpu.memory_space<hbm>>
    tpu.enqueue_dma source(%dma_start3A_388 : memref<8x4096xf32, #tpu.memory_space<hbm>>) target(%arg8 : memref<8x4096xf32, #tpu.memory_space<vmem>>) target_semaphore(%arg9 : memref<!tpu.dma_semaphore, #tpu.memory_space<semaphore_mem>>)
    %add3A_389 = arith.constant 704 : i32
    %add3A_390 = arith.addi %add3A_389, %mul3A_11 : i32
    %dma_wait3A_391 = tpu.memref_slice %arg2[%add3A_390, %mul3A_34] : memref<832x16384xf32, #tpu.memory_space<hbm>> -> memref<8x4096xf32, #tpu.memory_space<hbm>>
    %dma_wait3A_392 = tpu.memref_slice %arg2[%add3A_390, %mul3A_34] : memref<832x16384xf32, #tpu.memory_space<hbm>> -> memref<8x4096xf32, #tpu.memory_space<hbm>>
    tpu.wait_dma2 semaphore(%arg9 : memref<!tpu.dma_semaphore, #tpu.memory_space<semaphore_mem>>) src(%dma_wait3A_392 : memref<8x4096xf32, #tpu.memory_space<hbm>>) dst(%arg7 : memref<8x4096xf32, #tpu.memory_space<vmem>>)
    %add3A_393 = arith.constant 320 : i32
    %add3A_394 = arith.addi %add3A_393, %mul3A_11 : i32
    %dma_start3A_395 = tpu.memref_slice %arg5[%add3A_394, %mul3A_34] : memref<832x16384xf32, #tpu.memory_space<hbm>> -> memref<8x4096xf32, #tpu.memory_space<hbm>>
    %dma_start3A_396 = tpu.memref_slice %arg5[%add3A_394, %mul3A_34] : memref<832x16384xf32, #tpu.memory_space<hbm>> -> memref<8x4096xf32, #tpu.memory_space<hbm>>
    tpu.enqueue_dma source(%arg7 : memref<8x4096xf32, #tpu.memory_space<vmem>>) target(%dma_start3A_396 : memref<8x4096xf32, #tpu.memory_space<hbm>>) target_semaphore(%arg10 : memref<!tpu.dma_semaphore, #tpu.memory_space<semaphore_mem>>)
    %add3A_397 = arith.constant 704 : i32
    %add3A_398 = arith.addi %add3A_397, %mul3A_11 : i32
    %dma_wait3A_399 = tpu.memref_slice %arg5[%add3A_398, %mul3A_34] : memref<832x16384xf32, #tpu.memory_space<hbm>> -> memref<8x4096xf32, #tpu.memory_space<hbm>>
    %dma_wait3A_400 = tpu.memref_slice %arg5[%add3A_398, %mul3A_34] : memref<832x16384xf32, #tpu.memory_space<hbm>> -> memref<8x4096xf32, #tpu.memory_space<hbm>>
    tpu.wait_dma2 semaphore(%arg10 : memref<!tpu.dma_semaphore, #tpu.memory_space<semaphore_mem>>) src(%arg6 : memref<8x4096xf32, #tpu.memory_space<vmem>>) dst(%dma_wait3A_400 : memref<8x4096xf32, #tpu.memory_space<hbm>>)
    %add3A_401 = arith.constant 768 : i32
    %add3A_402 = arith.addi %add3A_401, %mul3A_11 : i32
    %dma_start3A_403 = tpu.memref_slice %arg2[%add3A_402, %mul3A_34] : memref<832x16384xf32, #tpu.memory_space<hbm>> -> memref<8x4096xf32, #tpu.memory_space<hbm>>
    %dma_start3A_404 = tpu.memref_slice %arg2[%add3A_402, %mul3A_34] : memref<832x16384xf32, #tpu.memory_space<hbm>> -> memref<8x4096xf32, #tpu.memory_space<hbm>>
    tpu.enqueue_dma source(%dma_start3A_404 : memref<8x4096xf32, #tpu.memory_space<hbm>>) target(%arg6 : memref<8x4096xf32, #tpu.memory_space<vmem>>) target_semaphore(%arg9 : memref<!tpu.dma_semaphore, #tpu.memory_space<semaphore_mem>>)
    %add3A_405 = arith.constant 704 : i32
    %add3A_406 = arith.addi %add3A_405, %mul3A_11 : i32
    %dma_wait3A_407 = tpu.memref_slice %arg3[%add3A_406, %mul3A_34] : memref<832x16384xf32, #tpu.memory_space<hbm>> -> memref<8x4096xf32, #tpu.memory_space<hbm>>
    %dma_wait3A_408 = tpu.memref_slice %arg3[%add3A_406, %mul3A_34] : memref<832x16384xf32, #tpu.memory_space<hbm>> -> memref<8x4096xf32, #tpu.memory_space<hbm>>
    tpu.wait_dma2 semaphore(%arg9 : memref<!tpu.dma_semaphore, #tpu.memory_space<semaphore_mem>>) src(%dma_wait3A_408 : memref<8x4096xf32, #tpu.memory_space<hbm>>) dst(%arg8 : memref<8x4096xf32, #tpu.memory_space<vmem>>)
    %add3A_409 = arith.constant 768 : i32
    %add3A_410 = arith.addi %add3A_409, %mul3A_11 : i32
    %dma_start3A_411 = tpu.memref_slice %arg4[%add3A_410, %mul3A_34] : memref<832x16384xf32, #tpu.memory_space<hbm>> -> memref<8x4096xf32, #tpu.memory_space<hbm>>
    %dma_start3A_412 = tpu.memref_slice %arg4[%add3A_410, %mul3A_34] : memref<832x16384xf32, #tpu.memory_space<hbm>> -> memref<8x4096xf32, #tpu.memory_space<hbm>>
    tpu.enqueue_dma source(%arg8 : memref<8x4096xf32, #tpu.memory_space<vmem>>) target(%dma_start3A_412 : memref<8x4096xf32, #tpu.memory_space<hbm>>) target_semaphore(%arg10 : memref<!tpu.dma_semaphore, #tpu.memory_space<semaphore_mem>>)
    %add3A_413 = arith.constant 320 : i32
    %add3A_414 = arith.addi %add3A_413, %mul3A_11 : i32
    %dma_wait3A_415 = tpu.memref_slice %arg5[%add3A_414, %mul3A_34] : memref<832x16384xf32, #tpu.memory_space<hbm>> -> memref<8x4096xf32, #tpu.memory_space<hbm>>
    %dma_wait3A_416 = tpu.memref_slice %arg5[%add3A_414, %mul3A_34] : memref<832x16384xf32, #tpu.memory_space<hbm>> -> memref<8x4096xf32, #tpu.memory_space<hbm>>
    tpu.wait_dma2 semaphore(%arg10 : memref<!tpu.dma_semaphore, #tpu.memory_space<semaphore_mem>>) src(%arg7 : memref<8x4096xf32, #tpu.memory_space<vmem>>) dst(%dma_wait3A_416 : memref<8x4096xf32, #tpu.memory_space<hbm>>)
    %add3A_417 = arith.constant 768 : i32
    %add3A_418 = arith.addi %add3A_417, %mul3A_11 : i32
    %dma_start3A_419 = tpu.memref_slice %arg3[%add3A_418, %mul3A_34] : memref<832x16384xf32, #tpu.memory_space<hbm>> -> memref<8x4096xf32, #tpu.memory_space<hbm>>
    %dma_start3A_420 = tpu.memref_slice %arg3[%add3A_418, %mul3A_34] : memref<832x16384xf32, #tpu.memory_space<hbm>> -> memref<8x4096xf32, #tpu.memory_space<hbm>>
    tpu.enqueue_dma source(%dma_start3A_420 : memref<8x4096xf32, #tpu.memory_space<hbm>>) target(%arg7 : memref<8x4096xf32, #tpu.memory_space<vmem>>) target_semaphore(%arg9 : memref<!tpu.dma_semaphore, #tpu.memory_space<semaphore_mem>>)
    %add3A_421 = arith.constant 768 : i32
    %add3A_422 = arith.addi %add3A_421, %mul3A_11 : i32
    %dma_wait3A_423 = tpu.memref_slice %arg2[%add3A_422, %mul3A_34] : memref<832x16384xf32, #tpu.memory_space<hbm>> -> memref<8x4096xf32, #tpu.memory_space<hbm>>
    %dma_wait3A_424 = tpu.memref_slice %arg2[%add3A_422, %mul3A_34] : memref<832x16384xf32, #tpu.memory_space<hbm>> -> memref<8x4096xf32, #tpu.memory_space<hbm>>
    tpu.wait_dma2 semaphore(%arg9 : memref<!tpu.dma_semaphore, #tpu.memory_space<semaphore_mem>>) src(%dma_wait3A_424 : memref<8x4096xf32, #tpu.memory_space<hbm>>) dst(%arg6 : memref<8x4096xf32, #tpu.memory_space<vmem>>)
    %add3A_425 = arith.constant 384 : i32
    %add3A_426 = arith.addi %add3A_425, %mul3A_11 : i32
    %dma_start3A_427 = tpu.memref_slice %arg4[%add3A_426, %mul3A_34] : memref<832x16384xf32, #tpu.memory_space<hbm>> -> memref<8x4096xf32, #tpu.memory_space<hbm>>
    %dma_start3A_428 = tpu.memref_slice %arg4[%add3A_426, %mul3A_34] : memref<832x16384xf32, #tpu.memory_space<hbm>> -> memref<8x4096xf32, #tpu.memory_space<hbm>>
    tpu.enqueue_dma source(%arg6 : memref<8x4096xf32, #tpu.memory_space<vmem>>) target(%dma_start3A_428 : memref<8x4096xf32, #tpu.memory_space<hbm>>) target_semaphore(%arg10 : memref<!tpu.dma_semaphore, #tpu.memory_space<semaphore_mem>>)
    %add3A_429 = arith.constant 768 : i32
    %add3A_430 = arith.addi %add3A_429, %mul3A_11 : i32
    %dma_wait3A_431 = tpu.memref_slice %arg3[%add3A_430, %mul3A_34] : memref<832x16384xf32, #tpu.memory_space<hbm>> -> memref<8x4096xf32, #tpu.memory_space<hbm>>
    %dma_wait3A_432 = tpu.memref_slice %arg3[%add3A_430, %mul3A_34] : memref<832x16384xf32, #tpu.memory_space<hbm>> -> memref<8x4096xf32, #tpu.memory_space<hbm>>
    tpu.wait_dma2 semaphore(%arg9 : memref<!tpu.dma_semaphore, #tpu.memory_space<semaphore_mem>>) src(%dma_wait3A_432 : memref<8x4096xf32, #tpu.memory_space<hbm>>) dst(%arg7 : memref<8x4096xf32, #tpu.memory_space<vmem>>)
    %add3A_433 = arith.constant 768 : i32
    %add3A_434 = arith.addi %add3A_433, %mul3A_11 : i32
    %dma_start3A_435 = tpu.memref_slice %arg5[%add3A_434, %mul3A_34] : memref<832x16384xf32, #tpu.memory_space<hbm>> -> memref<8x4096xf32, #tpu.memory_space<hbm>>
    %dma_start3A_436 = tpu.memref_slice %arg5[%add3A_434, %mul3A_34] : memref<832x16384xf32, #tpu.memory_space<hbm>> -> memref<8x4096xf32, #tpu.memory_space<hbm>>
    tpu.enqueue_dma source(%arg7 : memref<8x4096xf32, #tpu.memory_space<vmem>>) target(%dma_start3A_436 : memref<8x4096xf32, #tpu.memory_space<hbm>>) target_semaphore(%arg10 : memref<!tpu.dma_semaphore, #tpu.memory_space<semaphore_mem>>)
    %add3A_437 = arith.constant 768 : i32
    %add3A_438 = arith.addi %add3A_437, %mul3A_11 : i32
    %dma_wait3A_439 = tpu.memref_slice %arg4[%add3A_438, %mul3A_34] : memref<832x16384xf32, #tpu.memory_space<hbm>> -> memref<8x4096xf32, #tpu.memory_space<hbm>>
    %dma_wait3A_440 = tpu.memref_slice %arg4[%add3A_438, %mul3A_34] : memref<832x16384xf32, #tpu.memory_space<hbm>> -> memref<8x4096xf32, #tpu.memory_space<hbm>>
    tpu.wait_dma2 semaphore(%arg10 : memref<!tpu.dma_semaphore, #tpu.memory_space<semaphore_mem>>) src(%arg8 : memref<8x4096xf32, #tpu.memory_space<vmem>>) dst(%dma_wait3A_440 : memref<8x4096xf32, #tpu.memory_space<hbm>>)
    %add3A_441 = arith.constant 384 : i32
    %add3A_442 = arith.addi %add3A_441, %mul3A_11 : i32
    %dma_wait3A_443 = tpu.memref_slice %arg4[%add3A_442, %mul3A_34] : memref<832x16384xf32, #tpu.memory_space<hbm>> -> memref<8x4096xf32, #tpu.memory_space<hbm>>
    %dma_wait3A_444 = tpu.memref_slice %arg4[%add3A_442, %mul3A_34] : memref<832x16384xf32, #tpu.memory_space<hbm>> -> memref<8x4096xf32, #tpu.memory_space<hbm>>
    tpu.wait_dma2 semaphore(%arg10 : memref<!tpu.dma_semaphore, #tpu.memory_space<semaphore_mem>>) src(%arg6 : memref<8x4096xf32, #tpu.memory_space<vmem>>) dst(%dma_wait3A_444 : memref<8x4096xf32, #tpu.memory_space<hbm>>)
    %add3A_445 = arith.constant 768 : i32
    %add3A_446 = arith.addi %add3A_445, %mul3A_11 : i32
    %dma_wait3A_447 = tpu.memref_slice %arg5[%add3A_446, %mul3A_34] : memref<832x16384xf32, #tpu.memory_space<hbm>> -> memref<8x4096xf32, #tpu.memory_space<hbm>>
    %dma_wait3A_448 = tpu.memref_slice %arg5[%add3A_446, %mul3A_34] : memref<832x16384xf32, #tpu.memory_space<hbm>> -> memref<8x4096xf32, #tpu.memory_space<hbm>>
    tpu.wait_dma2 semaphore(%arg10 : memref<!tpu.dma_semaphore, #tpu.memory_space<semaphore_mem>>) src(%arg7 : memref<8x4096xf32, #tpu.memory_space<vmem>>) dst(%dma_wait3A_448 : memref<8x4096xf32, #tpu.memory_space<hbm>>)
    return
  }
}

</mosaic_0001>

<sc_bundles>
// kernel: kernel.3.cloned.1.call-start
scs
__scs_entry_jumppad:
0x0: {  	(pc) =	sbr.rel $0x88, $3  }
0x1: {  	(tag) =	ssettag $0x0;
	lr =	simm.s32 $0x1  }
0x2: {  	[smem:$0x3F9F] =	sst lr;
	_ =	strace $0xD0000000  }
0x3: {  	_ = 	snop  }
0x4: {  	_ = 	snop  }
0x5: {  	_ = 	snop  }
0x6: {  	_ = 	snop  }
0x7: {  	_ = 	snop  }
__scs_overlays_trampoline_lowered:
0x8: {  	[smem:$0x3FAE] =	sst s0  }
0x9: {  	[smem:$0x3FAF] =	sst s1  }
0xa: {  	[smem:$0x3FB0] =	sst s2  }
0xb: {  	[smem:$0x3FB1] =	sst s3  }
0xc: {  	[smem:$0x3FB2] =	sst s4  }
0xd: {  	[smem:$0x3FB3] =	sst s5  }
0xe: {  	[smem:$0x3FB4] =	sst s6  }
0xf: {  	[smem:$0x3FB5] =	sst s7  }
0x10: {  	[smem:$0x3FB6] =	sst s8  }
0x11: {  	[smem:$0x3FB7] =	sst s9;
	s0 =	simm.s32 @!p0 $0x0  }
0x12: {  	s1 =	sld [smem:$0x3F9D];
	s0 =	simm.s32 @p0 $0x1  }
0x13: {  	[smem:$0x3FB8] =	sst s0;
	s0 =	simm.s32 @!p1 $0x0  }
0x14: {  	s2 =	sld [smem:$0x3F9C];
	s0 =	simm.s32 @p1 $0x1  }
0x15: {  	[smem:$0x3FB9] =	sst s0;
	s0 =	simm.s32 @!p2 $0x0  }
0x16: {  	s3 =	sld [smem:$0x3FDB];
	s0 =	simm.s32 @p2 $0x1  }
0x17: {  	s4 =	simm.s32 $0x1BF5;
	[smem:$0x3FBB] =	sst s0  }
0x18: {  	s0 =	sld [smem:$0x3F9E];
	_ =	swait.ge [sflag:s4], $0x0  }
0x19: {  	s7 =	sld [smem:$0x3F9F]  }
0x1a: {  	s8 =	sadd.s32 $0xFFFFE003, lr  }
0x1b: {  	s9 =	sadd.s32 $0xFFFFFEF7, lr;
	s5 =	simm.s32 $0xFFFFFFFF;
	p2 =	slt.u32 s8, $0xFFFFF086  }
0x1c: {  	p1 =	slt.u32 s9, $0xF7A;
	s5 =	simm.s32 @!p2 $0x0  }
0x1d: {  	s5 =	simm.s32 @p1 $0x1;
	p0 =	seq.s32 s7, s2  }
0x1e: {  	s7 =	smul.u32 @!p0 $0xF7A, s2;
	p2 =	seq.s32 @!p0 s5, $0x0  }
0x1f: {  	s9 =	smul.u32 $0xF7A, s1;
	s8 =	simm.s32 @!p0 $0x1BF5;
	p2 =	por !p2, p0  }
0x20: {  	[sflag:s8] =	ssyncset.s32 @!p0 $0xFFFFF086;
	s6 =	sadd.s32 @!p0 s3, s7;
	s7 =	simm.s32 @!p0 $0x108  }
0x21: {  	s3 =	sadd.s32 s3, s9;
	s6 =	sadd.s32 @!p0 $0x88, s6;
	s7 =	simm.s32 @p2 $0x1082  }
0x22: {  	[simem:s7], [sflag:s8] =	dma.local @!p0 [hbm:s6], $0xF7A  }
0x23: {  	s9 =	sor.u32 $0xD0000000, s2;
	s6 =	simm.s32 $0x108;
	_ =	swait.ge @!p0 [sflag:s8], $0x0  }
0x24: {  	s3 =	sadd.s32 $0x88, s3;
	s6 =	simm.s32 @!p1 $0x1082;
	[sflag:s4] =	ssyncset.s32 $0xFFFFF086  }
0x25: {  	[simem:s6], [sflag:s4] =	dma.local [hbm:s3], $0xF7A  }
0x26: {  	[smem:$0x3F9F] =	sst s1;
	(tag) =	ssettag s2;
	_ =	strace s9  }
0x27: {  	s1 =	sld [smem:$0x3FAF]  }
0x28: {  	s2 =	sld [smem:$0x3FB0]  }
0x29: {  	s4 =	sld [smem:$0x3FB2]  }
0x2a: {  	p0 =	seq.s32 s5, $0x0;
	s5 =	sld [smem:$0x3FB3]  }
0x2b: {  	s6 =	sld [smem:$0x3FB4]  }
0x2c: {  	s7 =	sld [smem:$0x3FB5]  }
0x2d: {  	s3 =	simm.s32 $0x108;
	s8 =	sld [smem:$0x3FB6]  }
0x2e: {  	s3 =	simm.s32 @!p0 $0x1082;
	s9 =	sld [smem:$0x3FB7]  }
0x2f: {  	lr =	sadd.s32 s0, s3;
	s0 =	sld [smem:$0x3FAE]  }
0x30: {  	s3 =	sld [smem:$0x3FB1]  }
0x31: {  	[smem:$0x3FBA] =	sst s10  }
0x32: {  	s10 =	sld [smem:$0x3FB8];
	_ =	sdelay $0x3  }
0x33: {  	p0 =	seq.s32 s10, $0x1;
	s10 =	sld [smem:$0x3FBA];
	_ =	sdelay $0x3  }
0x34: {  	[smem:$0x3FBA] =	sst s10  }
0x35: {  	s10 =	sld [smem:$0x3FB9];
	_ =	sdelay $0x3  }
0x36: {  	p1 =	seq.s32 s10, $0x1;
	s10 =	sld [smem:$0x3FBA];
	_ =	sdelay $0x3  }
0x37: {  	[smem:$0x3FBA] =	sst s10  }
0x38: {  	s10 =	sld [smem:$0x3FBB]  }
0x39: {  	_ = 	snop;
	(pc) =	sbr.ind lr, $3  }
0x3a: {  	_ = 	snop  }
0x3b: {  	_ = 	snop  }
0x3c: {  	p2 =	seq.s32 s10, $0x1;
	s10 =	sld [smem:$0x3FBA]  }
0x3d: {  	_ =	shalt  }
0x3e: {  	_ =	shalt  }
0x3f: {  	_ =	shalt  }
0x40: {  	_ =	shalt  }
0x41: {  	_ =	shalt  }
0x42: {  	_ =	shalt  }
0x43: {  	_ =	shalt  }
0x44: {  	_ =	shalt  }
0x45: {  	_ =	shalt  }
0x46: {  	_ =	shalt  }
0x47: {  	_ =	shalt  }
0x48: {  	_ =	shalt  }
0x49: {  	_ =	shalt  }
0x4a: {  	_ =	shalt  }
0x4b: {  	_ =	shalt  }
0x4c: {  	_ =	shalt  }
0x4d: {  	_ =	shalt  }
0x4e: {  	_ =	shalt  }
0x4f: {  	_ =	shalt  }
0x50: {  	_ =	shalt  }
0x51: {  	_ =	shalt  }
0x52: {  	_ =	shalt  }
0x53: {  	_ =	shalt  }
0x54: {  	_ =	shalt  }
0x55: {  	_ =	shalt  }
0x56: {  	_ =	shalt  }
0x57: {  	_ =	shalt  }
0x58: {  	_ =	shalt  }
0x59: {  	_ =	shalt  }
0x5a: {  	_ =	shalt  }
0x5b: {  	_ =	shalt  }
0x5c: {  	_ =	shalt  }
0x5d: {  	_ =	shalt  }
0x5e: {  	_ =	shalt  }
0x5f: {  	_ =	shalt  }
0x60: {  	_ =	shalt  }
0x61: {  	_ =	shalt  }
0x62: {  	_ =	shalt  }
0x63: {  	_ =	shalt  }
0x64: {  	_ =	shalt  }
0x65: {  	_ =	shalt  }
0x66: {  	_ =	shalt  }
0x67: {  	_ =	shalt  }
0x68: {  	_ =	shalt  }
0x69: {  	_ =	shalt  }
0x6a: {  	_ =	shalt  }
0x6b: {  	_ =	shalt  }
0x6c: {  	_ =	shalt  }
0x6d: {  	_ =	shalt  }
0x6e: {  	_ =	shalt  }
0x6f: {  	_ =	shalt  }
0x70: {  	_ =	shalt  }
0x71: {  	_ =	shalt  }
0x72: {  	_ =	shalt  }
0x73: {  	_ =	shalt  }
0x74: {  	_ =	shalt  }
0x75: {  	_ =	shalt  }
0x76: {  	_ =	shalt  }
0x77: {  	_ =	shalt  }
0x78: {  	_ =	shalt  }
0x79: {  	_ =	shalt  }
0x7a: {  	_ =	shalt  }
0x7b: {  	_ =	shalt  }
0x7c: {  	_ =	shalt  }
0x7d: {  	_ =	shalt  }
0x7e: {  	_ =	shalt  }
0x7f: {  	_ =	shalt  }
0x80: {  	_ =	shalt  }
0x81: {  	_ =	shalt  }
0x82: {  	_ =	shalt  }
0x83: {  	_ =	shalt  }
0x84: {  	_ =	shalt  }
0x85: {  	_ =	shalt  }
0x86: {  	_ =	shalt  }
0x87: {  	_ =	shalt  }
.Lfunc_end0:
.L_simem_size_0:
called_computation_lowered:
.L_overlay_start_0:
0x88: {  	s2 =	sld [smem:$0x3FD9]  }
0x89: {  	s3 =	sld [smem:$0x3FFE];
	_ =	sdelay $0x1  }
0x8a: {  	s1 =	srdreg.scid  }
0x8b: {  	s0 =	sand.u32 $0x1, s1  }
0x8c: {  	s15 =	sshll.u32 s0, $0xA;
	s2 =	sadd.s32 s3, s2  }
0x8d: {  	s2 =	sadd.s32 s2, s15  }
0x8e: {  	[smem:$0x3FC6] =	sst s2  }
0x8f: {  	_ = 	snop  }
0x90: {  	s2 =	sld [smem:$0x3FD0];
	_ =	sdelay $0x1  }
0x91: {  	s16 =	sld [smem:$0x3FC9]  }
0x92: {  	s5 =	simm.s32 $0xA;
	s6 =	simm.s32 $0x10;
	s4 =	sld [smem:$0x3FC8]  }
0x93: {  	[smem:s6], [sflag:s5] =	dma.local [hbm:s2], $0x1  }
0x94: {  	_ =	swait.eq [sflag:s5], $0x1  }
0x95: {  	[sflag:s5] =	ssyncset.done $0x0  }
0x96: {  	s17 =	sld [smem:$0x10];
	[sflag:s5] =	ssyncadd.s32 $0xFFFFFFFF  }
0x97: {  	s18 =	sld [smem:$0x11];
	(tm) =	ssettm $0x1  }
0x98: {  	s19 =	sld [smem:$0x3FFB];
	_ =	sdelay $0x3  }
0x99: {  	_ =	strace s19  }
0x9a: {  	s6 =	sld [smem:$0x3FFC];
	_ =	sdelay $0x3  }
0x9b: {  	_ =	strace s6  }
0x9c: {  	s6 =	sld [smem:$0x3FFD];
	_ =	sdelay $0x3  }
0x9d: {  	_ =	strace s6  }
0x9e: {  	_ =	strace $0x8FFFFFFF  }
0x9f: {  	s20 =	sld [smem:$0x3FDB];
	_ =	sdelay $0x1  }
0xa0: {  	s7 =	simm.s32 $_scs_section_size  }
0xa1: {  	s8 =	simm.s32 $_size__tile_overlayer_lowered;
	s9 =	simm.s32 $_tile_overlayer_lowered  }
0xa2: {  	s23 =	simm.s32 $0x1BFF;
	s22 =	sshll.u32 s9, $0x1;
	s6 =	sadd.s32 s7, s20  }
0xa3: {  	s10 =	simm.s32 $0x0;
	s21 =	sshll.u32 s8, $0x1;
	s8 =	sadd.s32 s22, s6  }
0xa4: {  	[timem:s10], [sflag:s23] =	dma.local [hbm:s8], s21  }
0xa5: {  	_ =	swait.ge [sflag:s23], s21  }
0xa6: {  	s7 =	ssub.s32 $0x0, s21;
	[sflag:s23] =	ssyncset.done $0x0  }
0xa7: {  	[sflag:s23] =	ssyncadd.s32 s7;
	_ =	sdelay $0x1  }
0xa8: {  	s24 =	simm.s32 $0x1B8B  }
0xa9: {  	_ =	swait.ge [sflag:s24], $0x1  }
0xaa: {  	[sflag:s24] =	ssyncset.done $0x0  }
0xab: {  	s25 =	simm.s32 $0x1B8E;
	[sflag:s24] =	ssyncadd.s32 $0xFFFFFFFF  }
0xac: {  	s26 =	simm.s32 $execute0_lowered;
	[smem:$0x3FD2] =	sst s25  }
0xad: {  	s7 =	sshll.u32 s26, $0x1;
	_ =	strace $0x80000046;
	[dreg:$0x1] =	wrdreg $0xFFFFFFFF  }
0xae: {  	s28 =	simm.s32 $_size_execute0_lowered;
	s6 =	sadd.s32 s6, s7;
	[dreg:$0x0] =	wrdreg $0x0  }
0xaf: {  	s7 =	sshll.u32 s28, $0x1;
	[dreg:$0x2] =	wrdreg s6  }
0xb0: {  	[dreg:$0x3] =	wrdreg s7  }
0xb1: {  	[dreg:$0x4] =	wrdreg $0xC0  }
0xb2: {  	_ =	task [dreg:s10], $0x5FFFF  }
0xb3: {  	[dreg:$0x1] =	wrdreg $0xFFFFFFFF  }
0xb4: {  	[dreg:$0x0] =	wrdreg $0x60  }
0xb5: {  	[dreg:$0x2] =	wrdreg s16  }
0xb6: {  	[dreg:$0x3] =	wrdreg s4  }
0xb7: {  	[dreg:$0x4] =	wrdreg s17  }
0xb8: {  	[dreg:$0x5] =	wrdreg s18  }
0xb9: {  	[dreg:$0x6] =	wrdreg $0x9  }
0xba: {  	_ =	task.clear_ibuf [dreg:s10], $0x7FFFF;
	_ =	strace $0x90000046  }
0xbb: {  	s29 =	simm.s32 $0x9;
	_ =	strace $0x80000048  }
0xbc: {  	_ =	swait.ge [sflag:s29], $0x1  }
0xbd: {  	[sflag:s29] =	ssyncadd.s32 $0xFFFFFFFF  }
0xbe: {  	_ =	strace $0x90000048  }
0xbf: {  	_ =	sfence  }
0xc0: {  	s30 =	sld [smem:$0x0];
	_ =	sdelay $0x2  }
0xc1: {  	s31 =	sshll.u32 s1, $0xD;
	s1 =	sshrl.u32 s1, $0x2  }
0xc2: {  	s3 =	sand.u32 $0x4000, s31;
	s1 =	sadd.s32 s1, s30  }
0xc3: {  	s0 =	sor.u32 s3, s0;
	s1 =	sshll.u32 s1, $0x11  }
0xc4: {  	s0 =	sor.u32 s1, s0  }
0xc5: {  	s0 =	sadd.s32 $0x8F2B, s0  }
0xc6: {  	[sflag:s0] =	ssyncadd.remote.s32 $0x1  }
0xc7: {  	_ =	sfence.sel $0xFFFF  }
0xc8: {  	[dreg:$0x0] =	wrdreg $0xFFFFFFFF;
	(pc) =	sbr.abs _section_cstart, $3  }
0xc9: {  	[dreg:$0x1] =	wrdreg $0xFFFFFFFF  }
0xca: {  	_ =	task.clear_ibuf [dreg:s10], $0x2FFFF;
	_ =	strace $0x9FFFFFFF  }
0xcb: {  	(tm) =	ssettm $0x7FFFFFFF  }
tec
execute0_lowered:
.L_overlay_start_1:
0x0: {  	(tag) =	ssettag $0x1  }
0x1: {  	s4 =	stileid.u32  }
0x2: {  	s0 =	srdreg.scid;
	s2 =	sshll.u32 s4, $0x1  }
0x3: {  	s7 =	rddreg [dreg:$0x0];
	s8 =	sand.u32 $0x1, s0;
	s10 =	sand.u32 $0x6, s2  }
0x4: {  	s1 =	rddreg [dreg:$0x1];
	s4 =	sshll.u32 s4, $0xA;
	s0 =	sor.u32 s8, s10  }
0x5: {  	s5 =	rddreg [dreg:$0x2];
	s4 =	sand.u32 $0x3000, s4;
	s0 =	sshll.u32 s0, $0xE  }
0x6: {  	s3 =	rddreg [dreg:$0x3];
	s6 =	simm.s32 $0x0;
	s4 =	sor.u32 s4, s0  }
0x7: {  	[smem:$0x7FF] =	sst s6;
	s0 =	sadd.s32 s7, s4  }
0x8: {  	_ =	strace $0x80000047;
	s11 =	sadd.s32 s1, s4;
	[dreg:$0x5] =	wrdreg s0  }
0x9: {  	s12 =	sadd.s32 s5, s4;
	[dreg:$0x6] =	wrdreg s11  }
0xa: {  	s9 =	sor.u32 $0x20000, s4;
	s16 =	sadd.s32 s3, s4;
	[dreg:$0x7] =	wrdreg s12  }
0xb: {  	s2 =	sor.u32 $0xC0000, s4;
	s13 =	sadd.s32 s7, s9;
	[dreg:$0xb] =	wrdreg s16  }
0xc: {  	s14 =	sadd.s32 s3, s2;
	[dreg:$0x8] =	wrdreg s13  }
0xd: {  	s10 =	sor.u32 $0x40000, s4;
	s15 =	sadd.s32 s1, s9;
	[dreg:$0x9] =	wrdreg s14  }
0xe: {  	s17 =	sadd.s32 s7, s10;
	[dreg:$0xa] =	wrdreg s15  }
0xf: {  	p0 =	por $0x0, $0x0;
	s19 =	sadd.s32 s1, s10;
	[dreg:$0xc] =	wrdreg s17  }
0x10: {  	s8 =	ssub.s32 $0x2, s8;
	s20 =	sadd.s32 s5, s9;
	[dreg:$0xe] =	wrdreg s19  }
0x11: {  	s11 =	sor.u32 $0xE0000, s4;
	s24 =	sadd.s32 s3, s9;
	[dreg:$0xf] =	wrdreg s20  }
0x12: {  	s12 =	sor.u32 $0x60000, s4;
	s18 =	sadd.s32 s5, s11;
	[dreg:$0x13] =	wrdreg s24  }
0x13: {  	s9 =	sor.u32 $0x80000, s4;
	s21 =	sadd.s32 s7, s12;
	[dreg:$0xd] =	wrdreg s18  }
0x14: {  	s0 =	sor.u32 $0x180000, s4;
	s22 =	sadd.s32 s3, s11;
	[dreg:$0x10] =	wrdreg s21  }
0x15: {  	s23 =	sadd.s32 s1, s12;
	s25 =	sadd.s32 s7, s9;
	[dreg:$0x11] =	wrdreg s22  }
0x16: {  	s13 =	sor.u32 $0x100000, s4;
	s14 =	sadd.s32 s1, s9;
	[dreg:$0x12] =	wrdreg s23  }
0x17: {  	s15 =	sadd.s32 s5, s10;
	s19 =	sadd.s32 s3, s10;
	[dreg:$0x14] =	wrdreg s25  }
0x18: {  	s20 =	sadd.s32 s7, s2;
	s24 =	sadd.s32 s1, s2;
	[dreg:$0x16] =	wrdreg s14  }
0x19: {  	s30 =	sadd.s32 s1, s11;
	s29 =	sadd.s32 s3, s12;
	[dreg:$0x17] =	wrdreg s15  }
0x1a: {  	s10 =	sadd.s32 s7, s0;
	s26 =	sadd.s32 s5, s13;
	[dreg:$0x1b] =	wrdreg s19  }
0x1b: {  	s14 =	sor.u32 $0xA0000, s4;
	s17 =	sadd.s32 s3, s13;
	[dreg:$0x1c] =	wrdreg s20  }
0x1c: {  	s21 =	sor.u32 $0x120000, s4;
	[dreg:$0x1e] =	wrdreg s24;
	s25 =	sadd.s32 s5, s12  }
0x1d: {  	s15 =	sshrl.u32 s8, $0x1;
	s28 =	sadd.s32 s7, s13;
	s24 =	sadd.s32 s5, s9  }
0x1e: {  	s12 =	sor.u32 $0x160000, s4;
	s20 =	sadd.s32 s3, s9;
	[dreg:$0x15] =	wrdreg s26  }
0x1f: {  	s9 =	sadd.s32 s5, s0;
	s16 =	sadd.s32 s7, s14;
	[dreg:$0x19] =	wrdreg s17  }
0x20: {  	s18 =	sadd.s32 s1, s14;
	s23 =	sadd.s32 s5, s21;
	[dreg:$0x1f] =	wrdreg s25  }
0x21: {  	s26 =	sadd.s32 s7, s11;
	s8 =	ssub.s32 s8, s15;
	s31 =	sadd.s32 s3, s21  }
0x22: {  	s11 =	sor.u32 $0x140000, s4;
	s25 =	sadd.s32 s1, s13;
	[dreg:$0x18] =	wrdreg s16  }
0x23: {  	s15 =	sadd.s32 s7, s12;
	s17 =	sadd.s32 s5, s14;
	[smem:$0x7FD] =	sst s26  }
0x24: {  	s26 =	sadd.s32 s5, s11;
	s22 =	sadd.s32 s3, s11;
	s19 =	sadd.s32 s7, s11  }
0x25: {  	s16 =	sadd.s32 s1, s11;
	s11 =	sadd.s32 s3, s14;
	s14 =	smax.u32 s8, $0x1  }
0x26: {  	s13 =	sadd.s32 s3, s12;
	s4 =	sadd.s32 s5, s2;
	p1 =	sne.s32 s14, $0x1  }
.Ltmp0:
0x27: {  	s2 =	simm.s32 $0x8000;
	[dreg:$0x1a] =	wrdreg s18;
	(pc) =	sbr.rel @!p1 .LBB2_3-.Ltmp0, $4  }
0x28: {  	[dreg:$0x1d] =	wrdreg s23;
	s23 =	sadd.s32 s7, s21;
	s21 =	sadd.s32 s1, s21  }
0x29: {  	s18 =	sadd.s32 s5, s12;
	s12 =	sadd.s32 s1, s12;
	s7 =	sadd.s32 s1, s0  }
0x2a: {  	s5 =	sadd.s32 s3, s0;
	s8 =	simm.s32 $0x1;
	s3 =	simm.s32 $0x2  }
0x2b: {  	s0 =	rddreg [dreg:$0x5];
	s1 =	sadd.s32 $0xFFFFFFFF, s14;
	s14 =	simm.s32 $0x10000  }
0x2c: {  	[smem:$0x7FC] =	sst s1  }
0x2d: {  	[tilespmem:s6], [sflag:$0x1] =	stream.linear.gather [hbm4b:s0+s6], $0x8000, $0x38;
	[tilespmem:$0x18000] =	vst v63  }
0x2e: {  	s1 =	rddreg [dreg:$0x6]  }
0x2f: {  	[tilespmem:s2], [sflag:$0x1] =	stream.linear.gather [hbm4b:s1+s6], $0x8000, $0x38;
	[tilespmem:$0x18000] =	vst v63  }
0x30: {  	_ =	swait.ge [sflag:s8], $0x8000  }
0x31: {  	[sflag:s8] =	ssyncset.done $0x0  }
0x32: {  	s0 =	rddreg [dreg:$0x7];
	[sflag:s8] =	ssyncadd.s32 $0xFFFF8000  }
0x33: {  	[hbm4b:s0+s6] =	stream.linear.scatter [tilespmem:s6], [sflag:$0x2], $0x8000, $0x38;
	[tilespmem:$0x18000] =	vst v63  }
0x34: {  	s1 =	rddreg [dreg:$0x8]  }
0x35: {  	[tilespmem:s14], [sflag:$0x1] =	stream.linear.gather [hbm4b:s1+s6], $0x8000, $0x38;
	[tilespmem:$0x18000] =	vst v63  }
0x36: {  	_ =	swait.ge [sflag:s8], $0x8000  }
0x37: {  	[sflag:s8] =	ssyncset.done $0x0  }
0x38: {  	s1 =	rddreg [dreg:$0x9];
	[sflag:s8] =	ssyncadd.s32 $0xFFFF8000  }
0x39: {  	[hbm4b:s1+s6] =	stream.linear.scatter [tilespmem:s2], [sflag:$0x2], $0x8000, $0x38;
	[tilespmem:$0x18000] =	vst v63  }
0x3a: {  	_ =	swait.ge [sflag:s3], $0x8000  }
0x3b: {  	[sflag:s3] =	ssyncset.done $0x0  }
0x3c: {  	s1 =	rddreg [dreg:$0xa];
	[sflag:s3] =	ssyncadd.s32 $0xFFFF8000  }
0x3d: {  	[tilespmem:s6], [sflag:$0x1] =	stream.linear.gather [hbm4b:s1+s6], $0x8000, $0x38;
	[tilespmem:$0x18000] =	vst v63  }
0x3e: {  	_ =	swait.ge [sflag:s8], $0x8000  }
0x3f: {  	[sflag:s8] =	ssyncset.done $0x0  }
0x40: {  	s1 =	rddreg [dreg:$0xb];
	[sflag:s8] =	ssyncadd.s32 $0xFFFF8000  }
0x41: {  	[hbm4b:s1+s6] =	stream.linear.scatter [tilespmem:s14], [sflag:$0x2], $0x8000, $0x38;
	[tilespmem:$0x18000] =	vst v63  }
0x42: {  	_ =	swait.ge [sflag:s3], $0x8000  }
0x43: {  	[sflag:s3] =	ssyncset.done $0x0  }
0x44: {  	s1 =	rddreg [dreg:$0xc];
	[sflag:s3] =	ssyncadd.s32 $0xFFFF8000  }
0x45: {  	[tilespmem:s2], [sflag:$0x1] =	stream.linear.gather [hbm4b:s1+s6], $0x8000, $0x38;
	[tilespmem:$0x18000] =	vst v63  }
0x46: {  	_ =	swait.ge [sflag:s8], $0x8000  }
0x47: {  	[sflag:s8] =	ssyncset.done $0x0  }
0x48: {  	s1 =	rddreg [dreg:$0xd];
	[sflag:s8] =	ssyncadd.s32 $0xFFFF8000  }
0x49: {  	[hbm4b:s1+s6] =	stream.linear.scatter [tilespmem:s6], [sflag:$0x2], $0x8000, $0x38;
	[tilespmem:$0x18000] =	vst v63  }
0x4a: {  	_ =	swait.ge [sflag:s3], $0x8000  }
0x4b: {  	[sflag:s3] =	ssyncset.done $0x0  }
0x4c: {  	s1 =	rddreg [dreg:$0xe];
	[sflag:s3] =	ssyncadd.s32 $0xFFFF8000  }
0x4d: {  	[tilespmem:s14], [sflag:$0x1] =	stream.linear.gather [hbm4b:s1+s6], $0x8000, $0x38;
	[tilespmem:$0x18000] =	vst v63  }
0x4e: {  	_ =	swait.ge [sflag:s8], $0x8000  }
0x4f: {  	[sflag:s8] =	ssyncset.done $0x0  }
0x50: {  	s1 =	rddreg [dreg:$0xf];
	[sflag:s8] =	ssyncadd.s32 $0xFFFF8000  }
0x51: {  	[hbm4b:s1+s6] =	stream.linear.scatter [tilespmem:s2], [sflag:$0x2], $0x8000, $0x38;
	[tilespmem:$0x18000] =	vst v63  }
0x52: {  	_ =	swait.ge [sflag:s3], $0x8000  }
0x53: {  	[sflag:s3] =	ssyncset.done $0x0  }
0x54: {  	s1 =	rddreg [dreg:$0x10];
	[sflag:s3] =	ssyncadd.s32 $0xFFFF8000  }
0x55: {  	[tilespmem:s6], [sflag:$0x1] =	stream.linear.gather [hbm4b:s1+s6], $0x8000, $0x38;
	[tilespmem:$0x18000] =	vst v63  }
0x56: {  	_ =	swait.ge [sflag:s8], $0x8000  }
0x57: {  	[sflag:s8] =	ssyncset.done $0x0  }
0x58: {  	s1 =	rddreg [dreg:$0x11];
	[sflag:s8] =	ssyncadd.s32 $0xFFFF8000  }
0x59: {  	[hbm4b:s1+s6] =	stream.linear.scatter [tilespmem:s14], [sflag:$0x2], $0x8000, $0x38;
	[tilespmem:$0x18000] =	vst v63  }
0x5a: {  	_ =	swait.ge [sflag:s3], $0x8000  }
0x5b: {  	[sflag:s3] =	ssyncset.done $0x0  }
0x5c: {  	s1 =	rddreg [dreg:$0x12];
	[sflag:s3] =	ssyncadd.s32 $0xFFFF8000  }
0x5d: {  	[tilespmem:s2], [sflag:$0x1] =	stream.linear.gather [hbm4b:s1+s6], $0x8000, $0x38;
	[tilespmem:$0x18000] =	vst v63  }
0x5e: {  	_ =	swait.ge [sflag:s8], $0x8000  }
0x5f: {  	[sflag:s8] =	ssyncset.done $0x0  }
0x60: {  	s1 =	rddreg [dreg:$0x13];
	[sflag:s8] =	ssyncadd.s32 $0xFFFF8000  }
0x61: {  	[hbm4b:s1+s6] =	stream.linear.scatter [tilespmem:s6], [sflag:$0x2], $0x8000, $0x38;
	[tilespmem:$0x18000] =	vst v63  }
0x62: {  	_ =	swait.ge [sflag:s3], $0x8000  }
0x63: {  	[sflag:s3] =	ssyncset.done $0x0  }
0x64: {  	s1 =	rddreg [dreg:$0x14];
	[sflag:s3] =	ssyncadd.s32 $0xFFFF8000  }
0x65: {  	[tilespmem:s14], [sflag:$0x1] =	stream.linear.gather [hbm4b:s1+s6], $0x8000, $0x38;
	[tilespmem:$0x18000] =	vst v63  }
0x66: {  	_ =	swait.ge [sflag:s8], $0x8000  }
0x67: {  	[sflag:s8] =	ssyncset.done $0x0  }
0x68: {  	s1 =	rddreg [dreg:$0x15];
	[sflag:s8] =	ssyncadd.s32 $0xFFFF8000  }
0x69: {  	[hbm4b:s1+s6] =	stream.linear.scatter [tilespmem:s2], [sflag:$0x2], $0x8000, $0x38;
	[tilespmem:$0x18000] =	vst v63  }
0x6a: {  	_ =	swait.ge [sflag:s3], $0x8000  }
0x6b: {  	[sflag:s3] =	ssyncset.done $0x0  }
0x6c: {  	s1 =	rddreg [dreg:$0x16];
	[sflag:s3] =	ssyncadd.s32 $0xFFFF8000  }
0x6d: {  	[tilespmem:s6], [sflag:$0x1] =	stream.linear.gather [hbm4b:s1+s6], $0x8000, $0x38;
	[tilespmem:$0x18000] =	vst v63  }
0x6e: {  	_ =	swait.ge [sflag:s8], $0x8000  }
0x6f: {  	[sflag:s8] =	ssyncset.done $0x0  }
0x70: {  	s1 =	rddreg [dreg:$0x17];
	[sflag:s8] =	ssyncadd.s32 $0xFFFF8000  }
0x71: {  	[hbm4b:s1+s6] =	stream.linear.scatter [tilespmem:s14], [sflag:$0x2], $0x8000, $0x38;
	[tilespmem:$0x18000] =	vst v63  }
0x72: {  	_ =	swait.ge [sflag:s3], $0x8000  }
0x73: {  	[sflag:s3] =	ssyncset.done $0x0  }
0x74: {  	s1 =	rddreg [dreg:$0x18];
	[sflag:s3] =	ssyncadd.s32 $0xFFFF8000  }
0x75: {  	[tilespmem:s2], [sflag:$0x1] =	stream.linear.gather [hbm4b:s1+s6], $0x8000, $0x38;
	[tilespmem:$0x18000] =	vst v63  }
0x76: {  	_ =	swait.ge [sflag:s8], $0x8000  }
0x77: {  	[sflag:s8] =	ssyncset.done $0x0  }
0x78: {  	s1 =	rddreg [dreg:$0x19];
	[sflag:s8] =	ssyncadd.s32 $0xFFFF8000  }
0x79: {  	[hbm4b:s1+s6] =	stream.linear.scatter [tilespmem:s6], [sflag:$0x2], $0x8000, $0x38;
	[tilespmem:$0x18000] =	vst v63  }
0x7a: {  	_ =	swait.ge [sflag:s3], $0x8000  }
0x7b: {  	[sflag:s3] =	ssyncset.done $0x0  }
0x7c: {  	s1 =	rddreg [dreg:$0x1a];
	[sflag:s3] =	ssyncadd.s32 $0xFFFF8000  }
0x7d: {  	[tilespmem:s14], [sflag:$0x1] =	stream.linear.gather [hbm4b:s1+s6], $0x8000, $0x38;
	[tilespmem:$0x18000] =	vst v63  }
0x7e: {  	_ =	swait.ge [sflag:s8], $0x8000  }
0x7f: {  	[sflag:s8] =	ssyncset.done $0x0  }
0x80: {  	s1 =	rddreg [dreg:$0x1b];
	[sflag:s8] =	ssyncadd.s32 $0xFFFF8000  }
0x81: {  	[hbm4b:s1+s6] =	stream.linear.scatter [tilespmem:s2], [sflag:$0x2], $0x8000, $0x38;
	[tilespmem:$0x18000] =	vst v63  }
0x82: {  	_ =	swait.ge [sflag:s3], $0x8000  }
0x83: {  	[sflag:s3] =	ssyncset.done $0x0  }
0x84: {  	s1 =	rddreg [dreg:$0x1c];
	[sflag:s3] =	ssyncadd.s32 $0xFFFF8000  }
0x85: {  	[tilespmem:s6], [sflag:$0x1] =	stream.linear.gather [hbm4b:s1+s6], $0x8000, $0x38;
	[tilespmem:$0x18000] =	vst v63  }
0x86: {  	_ =	swait.ge [sflag:s8], $0x8000  }
0x87: {  	[sflag:s8] =	ssyncset.done $0x0  }
0x88: {  	s1 =	rddreg [dreg:$0x1d];
	[sflag:s8] =	ssyncadd.s32 $0xFFFF8000  }
0x89: {  	[hbm4b:s1+s6] =	stream.linear.scatter [tilespmem:s14], [sflag:$0x2], $0x8000, $0x38;
	[tilespmem:$0x18000] =	vst v63  }
0x8a: {  	_ =	swait.ge [sflag:s3], $0x8000  }
0x8b: {  	[sflag:s3] =	ssyncset.done $0x0  }
0x8c: {  	s1 =	rddreg [dreg:$0x1e];
	[sflag:s3] =	ssyncadd.s32 $0xFFFF8000  }
0x8d: {  	[tilespmem:s2], [sflag:$0x1] =	stream.linear.gather [hbm4b:s1+s6], $0x8000, $0x38;
	[tilespmem:$0x18000] =	vst v63  }
0x8e: {  	_ =	swait.ge [sflag:s8], $0x8000  }
0x8f: {  	[sflag:s8] =	ssyncset.done $0x0  }
0x90: {  	s1 =	rddreg [dreg:$0x1f];
	[sflag:s8] =	ssyncadd.s32 $0xFFFF8000  }
0x91: {  	[hbm4b:s1+s6] =	stream.linear.scatter [tilespmem:s6], [sflag:$0x2], $0x8000, $0x38;
	[tilespmem:$0x18000] =	vst v63  }
0x92: {  	_ =	swait.ge [sflag:s3], $0x8000  }
0x93: {  	s1 =	sld [smem:$0x7FD]  }
0x94: {  	[sflag:s3] =	ssyncset.done $0x0  }
0x95: {  	[sflag:s3] =	ssyncadd.s32 $0xFFFF8000  }
0x96: {  	[tilespmem:s14], [sflag:$0x1] =	stream.linear.gather [hbm4b:s1+s6], $0x8000, $0x38;
	[tilespmem:$0x18000] =	vst v63  }
0x97: {  	_ =	swait.ge [sflag:s8], $0x8000  }
0x98: {  	[sflag:s8] =	ssyncset.done $0x0  }
0x99: {  	[sflag:s8] =	ssyncadd.s32 $0xFFFF8000  }
0x9a: {  	[hbm4b:s31+s6] =	stream.linear.scatter [tilespmem:s2], [sflag:$0x2], $0x8000, $0x38;
	[tilespmem:$0x18000] =	vst v63  }
0x9b: {  	_ =	swait.ge [sflag:s3], $0x8000  }
0x9c: {  	[sflag:s3] =	ssyncset.done $0x0  }
0x9d: {  	[sflag:s3] =	ssyncadd.s32 $0xFFFF8000  }
0x9e: {  	[tilespmem:s6], [sflag:$0x1] =	stream.linear.gather [hbm4b:s30+s6], $0x8000, $0x38;
	[tilespmem:$0x18000] =	vst v63  }
0x9f: {  	_ =	swait.ge [sflag:s8], $0x8000  }
0xa0: {  	[sflag:s8] =	ssyncset.done $0x0  }
0xa1: {  	[sflag:s8] =	ssyncadd.s32 $0xFFFF8000  }
0xa2: {  	[hbm4b:s29+s6] =	stream.linear.scatter [tilespmem:s14], [sflag:$0x2], $0x8000, $0x38;
	[tilespmem:$0x18000] =	vst v63  }
0xa3: {  	_ =	swait.ge [sflag:s3], $0x8000  }
0xa4: {  	[sflag:s3] =	ssyncset.done $0x0  }
0xa5: {  	[sflag:s3] =	ssyncadd.s32 $0xFFFF8000  }
0xa6: {  	[tilespmem:s2], [sflag:$0x1] =	stream.linear.gather [hbm4b:s28+s6], $0x8000, $0x38;
	[tilespmem:$0x18000] =	vst v63  }
0xa7: {  	_ =	swait.ge [sflag:s8], $0x8000  }
0xa8: {  	[sflag:s8] =	ssyncset.done $0x0  }
0xa9: {  	[sflag:s8] =	ssyncadd.s32 $0xFFFF8000  }
0xaa: {  	[hbm4b:s26+s6] =	stream.linear.scatter [tilespmem:s6], [sflag:$0x2], $0x8000, $0x38;
	[tilespmem:$0x18000] =	vst v63  }
0xab: {  	_ =	swait.ge [sflag:s3], $0x8000  }
0xac: {  	[sflag:s3] =	ssyncset.done $0x0  }
0xad: {  	[sflag:s3] =	ssyncadd.s32 $0xFFFF8000  }
0xae: {  	[tilespmem:s14], [sflag:$0x1] =	stream.linear.gather [hbm4b:s25+s6], $0x8000, $0x38;
	[tilespmem:$0x18000] =	vst v63  }
0xaf: {  	_ =	swait.ge [sflag:s8], $0x8000  }
0xb0: {  	[sflag:s8] =	ssyncset.done $0x0  }
0xb1: {  	[sflag:s8] =	ssyncadd.s32 $0xFFFF8000  }
0xb2: {  	[hbm4b:s24+s6] =	stream.linear.scatter [tilespmem:s2], [sflag:$0x2], $0x8000, $0x38;
	[tilespmem:$0x18000] =	vst v63  }
0xb3: {  	_ =	swait.ge [sflag:s3], $0x8000  }
0xb4: {  	[sflag:s3] =	ssyncset.done $0x0  }
0xb5: {  	[sflag:s3] =	ssyncadd.s32 $0xFFFF8000  }
0xb6: {  	[tilespmem:s6], [sflag:$0x1] =	stream.linear.gather [hbm4b:s23+s6], $0x8000, $0x38;
	[tilespmem:$0x18000] =	vst v63  }
0xb7: {  	_ =	swait.ge [sflag:s8], $0x8000  }
0xb8: {  	[sflag:s8] =	ssyncset.done $0x0  }
0xb9: {  	[sflag:s8] =	ssyncadd.s32 $0xFFFF8000  }
0xba: {  	[hbm4b:s22+s6] =	stream.linear.scatter [tilespmem:s14], [sflag:$0x2], $0x8000, $0x38;
	[tilespmem:$0x18000] =	vst v63  }
0xbb: {  	_ =	swait.ge [sflag:s3], $0x8000  }
0xbc: {  	[sflag:s3] =	ssyncset.done $0x0  }
0xbd: {  	[sflag:s3] =	ssyncadd.s32 $0xFFFF8000  }
0xbe: {  	[tilespmem:s2], [sflag:$0x1] =	stream.linear.gather [hbm4b:s21+s6], $0x8000, $0x38;
	[tilespmem:$0x18000] =	vst v63  }
0xbf: {  	_ =	swait.ge [sflag:s8], $0x8000  }
0xc0: {  	[sflag:s8] =	ssyncset.done $0x0  }
0xc1: {  	[sflag:s8] =	ssyncadd.s32 $0xFFFF8000  }
0xc2: {  	[hbm4b:s20+s6] =	stream.linear.scatter [tilespmem:s6], [sflag:$0x2], $0x8000, $0x38;
	[tilespmem:$0x18000] =	vst v63  }
0xc3: {  	_ =	swait.ge [sflag:s3], $0x8000  }
0xc4: {  	[sflag:s3] =	ssyncset.done $0x0  }
0xc5: {  	[sflag:s3] =	ssyncadd.s32 $0xFFFF8000  }
0xc6: {  	[tilespmem:s14], [sflag:$0x1] =	stream.linear.gather [hbm4b:s19+s6], $0x8000, $0x38;
	[tilespmem:$0x18000] =	vst v63  }
0xc7: {  	_ =	swait.ge [sflag:s8], $0x8000  }
0xc8: {  	[sflag:s8] =	ssyncset.done $0x0  }
0xc9: {  	[sflag:s8] =	ssyncadd.s32 $0xFFFF8000  }
0xca: {  	[hbm4b:s18+s6] =	stream.linear.scatter [tilespmem:s2], [sflag:$0x2], $0x8000, $0x38;
	[tilespmem:$0x18000] =	vst v63  }
0xcb: {  	_ =	swait.ge [sflag:s3], $0x8000  }
0xcc: {  	[sflag:s3] =	ssyncset.done $0x0  }
0xcd: {  	[sflag:s3] =	ssyncadd.s32 $0xFFFF8000  }
0xce: {  	[tilespmem:s6], [sflag:$0x1] =	stream.linear.gather [hbm4b:s16+s6], $0x8000, $0x38;
	[tilespmem:$0x18000] =	vst v63  }
0xcf: {  	_ =	swait.ge [sflag:s8], $0x8000  }
0xd0: {  	[sflag:s8] =	ssyncset.done $0x0  }
0xd1: {  	[sflag:s8] =	ssyncadd.s32 $0xFFFF8000  }
0xd2: {  	[hbm4b:s17+s6] =	stream.linear.scatter [tilespmem:s14], [sflag:$0x2], $0x8000, $0x38;
	[tilespmem:$0x18000] =	vst v63  }
0xd3: {  	_ =	swait.ge [sflag:s3], $0x8000  }
0xd4: {  	[sflag:s3] =	ssyncset.done $0x0  }
0xd5: {  	[sflag:s3] =	ssyncadd.s32 $0xFFFF8000  }
0xd6: {  	[tilespmem:s2], [sflag:$0x1] =	stream.linear.gather [hbm4b:s15+s6], $0x8000, $0x38;
	[tilespmem:$0x18000] =	vst v63  }
0xd7: {  	_ =	swait.ge [sflag:s8], $0x8000  }
0xd8: {  	[sflag:s8] =	ssyncset.done $0x0  }
0xd9: {  	[sflag:s8] =	ssyncadd.s32 $0xFFFF8000  }
0xda: {  	[hbm4b:s13+s6] =	stream.linear.scatter [tilespmem:s6], [sflag:$0x2], $0x8000, $0x38;
	[tilespmem:$0x18000] =	vst v63  }
0xdb: {  	_ =	swait.ge [sflag:s3], $0x8000  }
0xdc: {  	[sflag:s3] =	ssyncset.done $0x0  }
0xdd: {  	[sflag:s3] =	ssyncadd.s32 $0xFFFF8000  }
0xde: {  	[tilespmem:s14], [sflag:$0x1] =	stream.linear.gather [hbm4b:s12+s6], $0x8000, $0x38;
	[tilespmem:$0x18000] =	vst v63  }
0xdf: {  	_ =	swait.ge [sflag:s8], $0x8000  }
0xe0: {  	[sflag:s8] =	ssyncset.done $0x0  }
0xe1: {  	[sflag:s8] =	ssyncadd.s32 $0xFFFF8000  }
0xe2: {  	[hbm4b:s11+s6] =	stream.linear.scatter [tilespmem:s2], [sflag:$0x2], $0x8000, $0x38;
	[tilespmem:$0x18000] =	vst v63  }
0xe3: {  	_ =	swait.ge [sflag:s3], $0x8000  }
0xe4: {  	[sflag:s3] =	ssyncset.done $0x0  }
0xe5: {  	[sflag:s3] =	ssyncadd.s32 $0xFFFF8000  }
0xe6: {  	[tilespmem:s6], [sflag:$0x1] =	stream.linear.gather [hbm4b:s10+s6], $0x8000, $0x38;
	[tilespmem:$0x18000] =	vst v63  }
0xe7: {  	_ =	swait.ge [sflag:s8], $0x8000  }
0xe8: {  	[sflag:s8] =	ssyncset.done $0x0  }
0xe9: {  	[sflag:s8] =	ssyncadd.s32 $0xFFFF8000  }
0xea: {  	[hbm4b:s9+s6] =	stream.linear.scatter [tilespmem:s14], [sflag:$0x2], $0x8000, $0x38;
	[tilespmem:$0x18000] =	vst v63  }
0xeb: {  	_ =	swait.ge [sflag:s3], $0x8000  }
0xec: {  	[sflag:s3] =	ssyncset.done $0x0  }
0xed: {  	[sflag:s3] =	ssyncadd.s32 $0xFFFF8000  }
0xee: {  	[tilespmem:s2], [sflag:$0x1] =	stream.linear.gather [hbm4b:s7+s6], $0x8000, $0x38;
	[tilespmem:$0x18000] =	vst v63  }
0xef: {  	_ =	swait.ge [sflag:s8], $0x8000  }
0xf0: {  	[sflag:s8] =	ssyncset.done $0x0  }
0xf1: {  	[sflag:s8] =	ssyncadd.s32 $0xFFFF8000  }
0xf2: {  	[hbm4b:s4+s6] =	stream.linear.scatter [tilespmem:s6], [sflag:$0x2], $0x8000, $0x38;
	[tilespmem:$0x18000] =	vst v63  }
0xf3: {  	_ =	swait.ge [sflag:s8], $0x8000  }
0xf4: {  	[sflag:s8] =	ssyncset.done $0x0  }
0xf5: {  	[sflag:s8] =	ssyncadd.s32 $0xFFFF8000  }
0xf6: {  	[hbm4b:s5+s6] =	stream.linear.scatter [tilespmem:s2], [sflag:$0x2], $0x8000, $0x38;
	[tilespmem:$0x18000] =	vst v63  }
0xf7: {  	_ =	swait.ge [sflag:s3], $0x8000  }
0xf8: {  	[sflag:s3] =	ssyncset.done $0x0  }
0xf9: {  	[sflag:s3] =	ssyncadd.s32 $0xFFFF8000  }
0xfa: {  	_ =	swait.ge [sflag:s3], $0x8000  }
0xfb: {  	s1 =	sld [smem:$0x7FC];
	_ =	sdelay $0x2  }
0xfc: {  	p1 =	sne.s32 s1, $0x1  }
.Ltmp1:
0xfd: {  	_ = 	snop;
	(pc) =	sbr.rel @!p1 .LBB2_3-.Ltmp1, $4  }
0xfe: {  	[sflag:s3] =	ssyncset.done $0x0  }
0xff: {  	[sflag:s3] =	ssyncadd.s32 $0xFFFF8000  }
0x100: {  	p0 =	por $0x1, $0x1;
	_ =	swait.ge [sflag:s3], $0x8000  }
0x101: {  	s1 =	sadd.s32 $0xFFFFFFFF, s1;
	s0 =	rddreg [dreg:$0x5];
	[sflag:s3] =	ssyncset.done $0x0  }
.LBB2_2:
0x102: {  	[sflag:s3] =	ssyncadd.s32 $0xFFFF8000;
	s2 =	simm.s32 $0x8000;
	s14 =	smov.u32 s31  }
0x103: {  	s31 =	smov.u32 s30;
	s30 =	smov.u32 s29;
	s29 =	smov.u32 s28  }
0x104: {  	s28 =	smov.u32 s26;
	s26 =	smov.u32 s25;
	s25 =	smov.u32 s24  }
0x105: {  	s24 =	smov.u32 s23;
	s23 =	smov.u32 s22;
	s22 =	smov.u32 s21  }
0x106: {  	s21 =	smov.u32 s20;
	s20 =	smov.u32 s19;
	s19 =	smov.u32 s18  }
0x107: {  	s18 =	smov.u32 s17;
	s17 =	smov.u32 s16;
	s16 =	smov.u32 s15  }
0x108: {  	s15 =	smov.u32 s13;
	s13 =	smov.u32 s12;
	s12 =	smov.u32 s11  }
0x109: {  	s11 =	smov.u32 s10;
	s10 =	smov.u32 s9;
	s9 =	smov.u32 s7  }
0x10a: {  	[tilespmem:s6], [sflag:$0x1] =	stream.linear.gather [hbm4b:s0+s6], $0x8000, $0x38;
	[tilespmem:$0x18000] =	vst v63  }
0x10b: {  	s7 =	smov.u32 s5;
	s5 =	smov.u32 s4;
	s4 =	rddreg [dreg:$0x6]  }
0x10c: {  	[tilespmem:s2], [sflag:$0x1] =	stream.linear.gather [hbm4b:s4+s6], $0x8000, $0x38;
	[tilespmem:$0x18000] =	vst v63  }
0x10d: {  	_ =	swait.ge [sflag:s8], $0x8000  }
0x10e: {  	[sflag:s8] =	ssyncset.done $0x0  }
0x10f: {  	s2 =	rddreg [dreg:$0x7];
	[sflag:s8] =	ssyncadd.s32 $0xFFFF8000  }
0x110: {  	[hbm4b:s2+s6] =	stream.linear.scatter [tilespmem:s6], [sflag:$0x2], $0x8000, $0x38;
	[tilespmem:$0x18000] =	vst v63  }
0x111: {  	s4 =	rddreg [dreg:$0x8];
	s2 =	simm.s32 $0x10000  }
0x112: {  	[tilespmem:s2], [sflag:$0x1] =	stream.linear.gather [hbm4b:s4+s6], $0x8000, $0x38;
	[tilespmem:$0x18000] =	vst v63  }
0x113: {  	s2 =	simm.s32 $0x8000;
	s4 =	smov.u32 s5  }
0x114: {  	s5 =	smov.u32 s7;
	s7 =	smov.u32 s9;
	s9 =	smov.u32 s10  }
0x115: {  	s10 =	smov.u32 s11;
	s11 =	smov.u32 s12;
	s12 =	smov.u32 s13  }
0x116: {  	s13 =	smov.u32 s15;
	s15 =	smov.u32 s16;
	s16 =	smov.u32 s17  }
0x117: {  	s17 =	smov.u32 s18;
	s18 =	smov.u32 s19;
	_ =	swait.ge [sflag:s8], $0x8000  }
0x118: {  	s19 =	smov.u32 s20;
	s20 =	smov.u32 s21;
	[sflag:s8] =	ssyncset.done $0x0  }
0x119: {  	s21 =	smov.u32 s22;
	s0 =	rddreg [dreg:$0x9];
	[sflag:s8] =	ssyncadd.s32 $0xFFFF8000  }
0x11a: {  	[hbm4b:s0+s6] =	stream.linear.scatter [tilespmem:s2], [sflag:$0x2], $0x8000, $0x38;
	[tilespmem:$0x18000] =	vst v63  }
0x11b: {  	s22 =	smov.u32 s23;
	s23 =	smov.u32 s24;
	_ =	swait.ge [sflag:s3], $0x8000  }
0x11c: {  	s24 =	smov.u32 s25;
	s25 =	smov.u32 s26;
	[sflag:s3] =	ssyncset.done $0x0  }
0x11d: {  	s26 =	smov.u32 s28;
	s0 =	rddreg [dreg:$0xa];
	[sflag:s3] =	ssyncadd.s32 $0xFFFF8000  }
0x11e: {  	[tilespmem:s6], [sflag:$0x1] =	stream.linear.gather [hbm4b:s0+s6], $0x8000, $0x38;
	[tilespmem:$0x18000] =	vst v63  }
0x11f: {  	s28 =	smov.u32 s29;
	s29 =	smov.u32 s30;
	_ =	swait.ge [sflag:s8], $0x8000  }
0x120: {  	s30 =	smov.u32 s31;
	s31 =	smov.u32 s14;
	[sflag:s8] =	ssyncset.done $0x0  }
0x121: {  	s14 =	simm.s32 $0x10000;
	s0 =	rddreg [dreg:$0xb];
	[sflag:s8] =	ssyncadd.s32 $0xFFFF8000  }
0x122: {  	[hbm4b:s0+s6] =	stream.linear.scatter [tilespmem:s14], [sflag:$0x2], $0x8000, $0x38;
	[tilespmem:$0x18000] =	vst v63  }
0x123: {  	_ =	swait.ge [sflag:s3], $0x8000  }
0x124: {  	[sflag:s3] =	ssyncset.done $0x0  }
0x125: {  	s0 =	rddreg [dreg:$0xc];
	[sflag:s3] =	ssyncadd.s32 $0xFFFF8000  }
0x126: {  	[tilespmem:s2], [sflag:$0x1] =	stream.linear.gather [hbm4b:s0+s6], $0x8000, $0x38;
	[tilespmem:$0x18000] =	vst v63  }
0x127: {  	_ =	swait.ge [sflag:s8], $0x8000  }
0x128: {  	[sflag:s8] =	ssyncset.done $0x0  }
0x129: {  	s0 =	rddreg [dreg:$0xd];
	[sflag:s8] =	ssyncadd.s32 $0xFFFF8000  }
0x12a: {  	[hbm4b:s0+s6] =	stream.linear.scatter [tilespmem:s6], [sflag:$0x2], $0x8000, $0x38;
	[tilespmem:$0x18000] =	vst v63  }
0x12b: {  	_ =	swait.ge [sflag:s3], $0x8000  }
0x12c: {  	[sflag:s3] =	ssyncset.done $0x0  }
0x12d: {  	s0 =	rddreg [dreg:$0xe];
	[sflag:s3] =	ssyncadd.s32 $0xFFFF8000  }
0x12e: {  	[tilespmem:s14], [sflag:$0x1] =	stream.linear.gather [hbm4b:s0+s6], $0x8000, $0x38;
	[tilespmem:$0x18000] =	vst v63  }
0x12f: {  	_ =	swait.ge [sflag:s8], $0x8000  }
0x130: {  	[sflag:s8] =	ssyncset.done $0x0  }
0x131: {  	s0 =	rddreg [dreg:$0xf];
	[sflag:s8] =	ssyncadd.s32 $0xFFFF8000  }
0x132: {  	[hbm4b:s0+s6] =	stream.linear.scatter [tilespmem:s2], [sflag:$0x2], $0x8000, $0x38;
	[tilespmem:$0x18000] =	vst v63  }
0x133: {  	_ =	swait.ge [sflag:s3], $0x8000  }
0x134: {  	[sflag:s3] =	ssyncset.done $0x0  }
0x135: {  	s0 =	rddreg [dreg:$0x10];
	[sflag:s3] =	ssyncadd.s32 $0xFFFF8000  }
0x136: {  	[tilespmem:s6], [sflag:$0x1] =	stream.linear.gather [hbm4b:s0+s6], $0x8000, $0x38;
	[tilespmem:$0x18000] =	vst v63  }
0x137: {  	_ =	swait.ge [sflag:s8], $0x8000  }
0x138: {  	[sflag:s8] =	ssyncset.done $0x0  }
0x139: {  	s0 =	rddreg [dreg:$0x11];
	[sflag:s8] =	ssyncadd.s32 $0xFFFF8000  }
0x13a: {  	[hbm4b:s0+s6] =	stream.linear.scatter [tilespmem:s14], [sflag:$0x2], $0x8000, $0x38;
	[tilespmem:$0x18000] =	vst v63  }
0x13b: {  	_ =	swait.ge [sflag:s3], $0x8000  }
0x13c: {  	[sflag:s3] =	ssyncset.done $0x0  }
0x13d: {  	s0 =	rddreg [dreg:$0x12];
	[sflag:s3] =	ssyncadd.s32 $0xFFFF8000  }
0x13e: {  	[tilespmem:s2], [sflag:$0x1] =	stream.linear.gather [hbm4b:s0+s6], $0x8000, $0x38;
	[tilespmem:$0x18000] =	vst v63  }
0x13f: {  	_ =	swait.ge [sflag:s8], $0x8000  }
0x140: {  	[sflag:s8] =	ssyncset.done $0x0  }
0x141: {  	s0 =	rddreg [dreg:$0x13];
	[sflag:s8] =	ssyncadd.s32 $0xFFFF8000  }
0x142: {  	[hbm4b:s0+s6] =	stream.linear.scatter [tilespmem:s6], [sflag:$0x2], $0x8000, $0x38;
	[tilespmem:$0x18000] =	vst v63  }
0x143: {  	_ =	swait.ge [sflag:s3], $0x8000  }
0x144: {  	[sflag:s3] =	ssyncset.done $0x0  }
0x145: {  	s0 =	rddreg [dreg:$0x14];
	[sflag:s3] =	ssyncadd.s32 $0xFFFF8000  }
0x146: {  	[tilespmem:s14], [sflag:$0x1] =	stream.linear.gather [hbm4b:s0+s6], $0x8000, $0x38;
	[tilespmem:$0x18000] =	vst v63  }
0x147: {  	_ =	swait.ge [sflag:s8], $0x8000  }
0x148: {  	[sflag:s8] =	ssyncset.done $0x0  }
0x149: {  	s0 =	rddreg [dreg:$0x15];
	[sflag:s8] =	ssyncadd.s32 $0xFFFF8000  }
0x14a: {  	[hbm4b:s0+s6] =	stream.linear.scatter [tilespmem:s2], [sflag:$0x2], $0x8000, $0x38;
	[tilespmem:$0x18000] =	vst v63  }
0x14b: {  	_ =	swait.ge [sflag:s3], $0x8000  }
0x14c: {  	[sflag:s3] =	ssyncset.done $0x0  }
0x14d: {  	s0 =	rddreg [dreg:$0x16];
	[sflag:s3] =	ssyncadd.s32 $0xFFFF8000  }
0x14e: {  	[tilespmem:s6], [sflag:$0x1] =	stream.linear.gather [hbm4b:s0+s6], $0x8000, $0x38;
	[tilespmem:$0x18000] =	vst v63  }
0x14f: {  	_ =	swait.ge [sflag:s8], $0x8000  }
0x150: {  	[sflag:s8] =	ssyncset.done $0x0  }
0x151: {  	s0 =	rddreg [dreg:$0x17];
	[sflag:s8] =	ssyncadd.s32 $0xFFFF8000  }
0x152: {  	[hbm4b:s0+s6] =	stream.linear.scatter [tilespmem:s14], [sflag:$0x2], $0x8000, $0x38;
	[tilespmem:$0x18000] =	vst v63  }
0x153: {  	_ =	swait.ge [sflag:s3], $0x8000  }
0x154: {  	[sflag:s3] =	ssyncset.done $0x0  }
0x155: {  	s0 =	rddreg [dreg:$0x18];
	[sflag:s3] =	ssyncadd.s32 $0xFFFF8000  }
0x156: {  	[tilespmem:s2], [sflag:$0x1] =	stream.linear.gather [hbm4b:s0+s6], $0x8000, $0x38;
	[tilespmem:$0x18000] =	vst v63  }
0x157: {  	_ =	swait.ge [sflag:s8], $0x8000  }
0x158: {  	[sflag:s8] =	ssyncset.done $0x0  }
0x159: {  	s0 =	rddreg [dreg:$0x19];
	[sflag:s8] =	ssyncadd.s32 $0xFFFF8000  }
0x15a: {  	[hbm4b:s0+s6] =	stream.linear.scatter [tilespmem:s6], [sflag:$0x2], $0x8000, $0x38;
	[tilespmem:$0x18000] =	vst v63  }
0x15b: {  	_ =	swait.ge [sflag:s3], $0x8000  }
0x15c: {  	[sflag:s3] =	ssyncset.done $0x0  }
0x15d: {  	s0 =	rddreg [dreg:$0x1a];
	[sflag:s3] =	ssyncadd.s32 $0xFFFF8000  }
0x15e: {  	[tilespmem:s14], [sflag:$0x1] =	stream.linear.gather [hbm4b:s0+s6], $0x8000, $0x38;
	[tilespmem:$0x18000] =	vst v63  }
0x15f: {  	_ =	swait.ge [sflag:s8], $0x8000  }
0x160: {  	[sflag:s8] =	ssyncset.done $0x0  }
0x161: {  	s0 =	rddreg [dreg:$0x1b];
	[sflag:s8] =	ssyncadd.s32 $0xFFFF8000  }
0x162: {  	[hbm4b:s0+s6] =	stream.linear.scatter [tilespmem:s2], [sflag:$0x2], $0x8000, $0x38;
	[tilespmem:$0x18000] =	vst v63  }
0x163: {  	_ =	swait.ge [sflag:s3], $0x8000  }
0x164: {  	[sflag:s3] =	ssyncset.done $0x0  }
0x165: {  	s0 =	rddreg [dreg:$0x1c];
	[sflag:s3] =	ssyncadd.s32 $0xFFFF8000  }
0x166: {  	[tilespmem:s6], [sflag:$0x1] =	stream.linear.gather [hbm4b:s0+s6], $0x8000, $0x38;
	[tilespmem:$0x18000] =	vst v63  }
0x167: {  	_ =	swait.ge [sflag:s8], $0x8000  }
0x168: {  	[sflag:s8] =	ssyncset.done $0x0  }
0x169: {  	s0 =	rddreg [dreg:$0x1d];
	[sflag:s8] =	ssyncadd.s32 $0xFFFF8000  }
0x16a: {  	[hbm4b:s0+s6] =	stream.linear.scatter [tilespmem:s14], [sflag:$0x2], $0x8000, $0x38;
	[tilespmem:$0x18000] =	vst v63  }
0x16b: {  	_ =	swait.ge [sflag:s3], $0x8000  }
0x16c: {  	[sflag:s3] =	ssyncset.done $0x0  }
0x16d: {  	s0 =	rddreg [dreg:$0x1e];
	[sflag:s3] =	ssyncadd.s32 $0xFFFF8000  }
0x16e: {  	[tilespmem:s2], [sflag:$0x1] =	stream.linear.gather [hbm4b:s0+s6], $0x8000, $0x38;
	[tilespmem:$0x18000] =	vst v63  }
0x16f: {  	_ =	swait.ge [sflag:s8], $0x8000  }
0x170: {  	[sflag:s8] =	ssyncset.done $0x0  }
0x171: {  	s0 =	rddreg [dreg:$0x1f];
	[sflag:s8] =	ssyncadd.s32 $0xFFFF8000  }
0x172: {  	[hbm4b:s0+s6] =	stream.linear.scatter [tilespmem:s6], [sflag:$0x2], $0x8000, $0x38;
	[tilespmem:$0x18000] =	vst v63  }
0x173: {  	_ =	swait.ge [sflag:s3], $0x8000  }
0x174: {  	s0 =	sld [smem:$0x7FD]  }
0x175: {  	[sflag:s3] =	ssyncset.done $0x0  }
0x176: {  	[sflag:s3] =	ssyncadd.s32 $0xFFFF8000  }
0x177: {  	[tilespmem:s14], [sflag:$0x1] =	stream.linear.gather [hbm4b:s0+s6], $0x8000, $0x38;
	[tilespmem:$0x18000] =	vst v63  }
0x178: {  	_ =	swait.ge [sflag:s8], $0x8000  }
0x179: {  	[sflag:s8] =	ssyncset.done $0x0  }
0x17a: {  	[sflag:s8] =	ssyncadd.s32 $0xFFFF8000  }
0x17b: {  	[hbm4b:s31+s6] =	stream.linear.scatter [tilespmem:s2], [sflag:$0x2], $0x8000, $0x38;
	[tilespmem:$0x18000] =	vst v63  }
0x17c: {  	_ =	swait.ge [sflag:s3], $0x8000  }
0x17d: {  	[sflag:s3] =	ssyncset.done $0x0  }
0x17e: {  	[sflag:s3] =	ssyncadd.s32 $0xFFFF8000  }
0x17f: {  	[tilespmem:s6], [sflag:$0x1] =	stream.linear.gather [hbm4b:s30+s6], $0x8000, $0x38;
	[tilespmem:$0x18000] =	vst v63  }
0x180: {  	_ =	swait.ge [sflag:s8], $0x8000  }
0x181: {  	[sflag:s8] =	ssyncset.done $0x0  }
0x182: {  	[sflag:s8] =	ssyncadd.s32 $0xFFFF8000  }
0x183: {  	[hbm4b:s29+s6] =	stream.linear.scatter [tilespmem:s14], [sflag:$0x2], $0x8000, $0x38;
	[tilespmem:$0x18000] =	vst v63  }
0x184: {  	_ =	swait.ge [sflag:s3], $0x8000  }
0x185: {  	[sflag:s3] =	ssyncset.done $0x0  }
0x186: {  	[sflag:s3] =	ssyncadd.s32 $0xFFFF8000  }
0x187: {  	[tilespmem:s2], [sflag:$0x1] =	stream.linear.gather [hbm4b:s28+s6], $0x8000, $0x38;
	[tilespmem:$0x18000] =	vst v63  }
0x188: {  	_ =	swait.ge [sflag:s8], $0x8000  }
0x189: {  	[sflag:s8] =	ssyncset.done $0x0  }
0x18a: {  	[sflag:s8] =	ssyncadd.s32 $0xFFFF8000  }
0x18b: {  	[hbm4b:s26+s6] =	stream.linear.scatter [tilespmem:s6], [sflag:$0x2], $0x8000, $0x38;
	[tilespmem:$0x18000] =	vst v63  }
0x18c: {  	_ =	swait.ge [sflag:s3], $0x8000  }
0x18d: {  	[sflag:s3] =	ssyncset.done $0x0  }
0x18e: {  	[sflag:s3] =	ssyncadd.s32 $0xFFFF8000  }
0x18f: {  	[tilespmem:s14], [sflag:$0x1] =	stream.linear.gather [hbm4b:s25+s6], $0x8000, $0x38;
	[tilespmem:$0x18000] =	vst v63  }
0x190: {  	_ =	swait.ge [sflag:s8], $0x8000  }
0x191: {  	[sflag:s8] =	ssyncset.done $0x0  }
0x192: {  	[sflag:s8] =	ssyncadd.s32 $0xFFFF8000  }
0x193: {  	[hbm4b:s24+s6] =	stream.linear.scatter [tilespmem:s2], [sflag:$0x2], $0x8000, $0x38;
	[tilespmem:$0x18000] =	vst v63  }
0x194: {  	_ =	swait.ge [sflag:s3], $0x8000  }
0x195: {  	[sflag:s3] =	ssyncset.done $0x0  }
0x196: {  	[sflag:s3] =	ssyncadd.s32 $0xFFFF8000  }
0x197: {  	[tilespmem:s6], [sflag:$0x1] =	stream.linear.gather [hbm4b:s23+s6], $0x8000, $0x38;
	[tilespmem:$0x18000] =	vst v63  }
0x198: {  	_ =	swait.ge [sflag:s8], $0x8000  }
0x199: {  	[sflag:s8] =	ssyncset.done $0x0  }
0x19a: {  	[sflag:s8] =	ssyncadd.s32 $0xFFFF8000  }
0x19b: {  	[hbm4b:s22+s6] =	stream.linear.scatter [tilespmem:s14], [sflag:$0x2], $0x8000, $0x38;
	[tilespmem:$0x18000] =	vst v63  }
0x19c: {  	_ =	swait.ge [sflag:s3], $0x8000  }
0x19d: {  	[sflag:s3] =	ssyncset.done $0x0  }
0x19e: {  	[sflag:s3] =	ssyncadd.s32 $0xFFFF8000  }
0x19f: {  	[tilespmem:s2], [sflag:$0x1] =	stream.linear.gather [hbm4b:s21+s6], $0x8000, $0x38;
	[tilespmem:$0x18000] =	vst v63  }
0x1a0: {  	_ =	swait.ge [sflag:s8], $0x8000  }
0x1a1: {  	[sflag:s8] =	ssyncset.done $0x0  }
0x1a2: {  	[sflag:s8] =	ssyncadd.s32 $0xFFFF8000  }
0x1a3: {  	[hbm4b:s20+s6] =	stream.linear.scatter [tilespmem:s6], [sflag:$0x2], $0x8000, $0x38;
	[tilespmem:$0x18000] =	vst v63  }
0x1a4: {  	_ =	swait.ge [sflag:s3], $0x8000  }
0x1a5: {  	[sflag:s3] =	ssyncset.done $0x0  }
0x1a6: {  	[sflag:s3] =	ssyncadd.s32 $0xFFFF8000  }
0x1a7: {  	[tilespmem:s14], [sflag:$0x1] =	stream.linear.gather [hbm4b:s19+s6], $0x8000, $0x38;
	[tilespmem:$0x18000] =	vst v63  }
0x1a8: {  	_ =	swait.ge [sflag:s8], $0x8000  }
0x1a9: {  	[sflag:s8] =	ssyncset.done $0x0  }
0x1aa: {  	[sflag:s8] =	ssyncadd.s32 $0xFFFF8000  }
0x1ab: {  	[hbm4b:s18+s6] =	stream.linear.scatter [tilespmem:s2], [sflag:$0x2], $0x8000, $0x38;
	[tilespmem:$0x18000] =	vst v63  }
0x1ac: {  	_ =	swait.ge [sflag:s3], $0x8000  }
0x1ad: {  	[sflag:s3] =	ssyncset.done $0x0  }
0x1ae: {  	[sflag:s3] =	ssyncadd.s32 $0xFFFF8000  }
0x1af: {  	[tilespmem:s6], [sflag:$0x1] =	stream.linear.gather [hbm4b:s16+s6], $0x8000, $0x38;
	[tilespmem:$0x18000] =	vst v63  }
0x1b0: {  	_ =	swait.ge [sflag:s8], $0x8000  }
0x1b1: {  	[sflag:s8] =	ssyncset.done $0x0  }
0x1b2: {  	[sflag:s8] =	ssyncadd.s32 $0xFFFF8000  }
0x1b3: {  	[hbm4b:s17+s6] =	stream.linear.scatter [tilespmem:s14], [sflag:$0x2], $0x8000, $0x38;
	[tilespmem:$0x18000] =	vst v63  }
0x1b4: {  	_ =	swait.ge [sflag:s3], $0x8000  }
0x1b5: {  	[sflag:s3] =	ssyncset.done $0x0  }
0x1b6: {  	[sflag:s3] =	ssyncadd.s32 $0xFFFF8000  }
0x1b7: {  	[tilespmem:s2], [sflag:$0x1] =	stream.linear.gather [hbm4b:s15+s6], $0x8000, $0x38;
	[tilespmem:$0x18000] =	vst v63  }
0x1b8: {  	_ =	swait.ge [sflag:s8], $0x8000  }
0x1b9: {  	[sflag:s8] =	ssyncset.done $0x0  }
0x1ba: {  	[sflag:s8] =	ssyncadd.s32 $0xFFFF8000  }
0x1bb: {  	[hbm4b:s13+s6] =	stream.linear.scatter [tilespmem:s6], [sflag:$0x2], $0x8000, $0x38;
	[tilespmem:$0x18000] =	vst v63  }
0x1bc: {  	_ =	swait.ge [sflag:s3], $0x8000  }
0x1bd: {  	[sflag:s3] =	ssyncset.done $0x0  }
0x1be: {  	[sflag:s3] =	ssyncadd.s32 $0xFFFF8000  }
0x1bf: {  	[tilespmem:s14], [sflag:$0x1] =	stream.linear.gather [hbm4b:s12+s6], $0x8000, $0x38;
	[tilespmem:$0x18000] =	vst v63  }
0x1c0: {  	_ =	swait.ge [sflag:s8], $0x8000  }
0x1c1: {  	[sflag:s8] =	ssyncset.done $0x0  }
0x1c2: {  	[sflag:s8] =	ssyncadd.s32 $0xFFFF8000  }
0x1c3: {  	[hbm4b:s11+s6] =	stream.linear.scatter [tilespmem:s2], [sflag:$0x2], $0x8000, $0x38;
	[tilespmem:$0x18000] =	vst v63  }
0x1c4: {  	_ =	swait.ge [sflag:s3], $0x8000  }
0x1c5: {  	[sflag:s3] =	ssyncset.done $0x0  }
0x1c6: {  	[sflag:s3] =	ssyncadd.s32 $0xFFFF8000  }
0x1c7: {  	[tilespmem:s6], [sflag:$0x1] =	stream.linear.gather [hbm4b:s10+s6], $0x8000, $0x38;
	[tilespmem:$0x18000] =	vst v63  }
0x1c8: {  	_ =	swait.ge [sflag:s8], $0x8000  }
0x1c9: {  	[sflag:s8] =	ssyncset.done $0x0  }
0x1ca: {  	[sflag:s8] =	ssyncadd.s32 $0xFFFF8000  }
0x1cb: {  	[hbm4b:s9+s6] =	stream.linear.scatter [tilespmem:s14], [sflag:$0x2], $0x8000, $0x38;
	[tilespmem:$0x18000] =	vst v63  }
0x1cc: {  	_ =	swait.ge [sflag:s3], $0x8000  }
0x1cd: {  	[sflag:s3] =	ssyncset.done $0x0  }
0x1ce: {  	[sflag:s3] =	ssyncadd.s32 $0xFFFF8000  }
0x1cf: {  	[tilespmem:s2], [sflag:$0x1] =	stream.linear.gather [hbm4b:s7+s6], $0x8000, $0x38;
	[tilespmem:$0x18000] =	vst v63  }
0x1d0: {  	_ =	swait.ge [sflag:s8], $0x8000  }
0x1d1: {  	[sflag:s8] =	ssyncset.done $0x0  }
0x1d2: {  	[sflag:s8] =	ssyncadd.s32 $0xFFFF8000  }
0x1d3: {  	[hbm4b:s4+s6] =	stream.linear.scatter [tilespmem:s6], [sflag:$0x2], $0x8000, $0x38;
	[tilespmem:$0x18000] =	vst v63  }
0x1d4: {  	_ =	swait.ge [sflag:s8], $0x8000  }
0x1d5: {  	[sflag:s8] =	ssyncset.done $0x0  }
0x1d6: {  	[sflag:s8] =	ssyncadd.s32 $0xFFFF8000  }
0x1d7: {  	[hbm4b:s5+s6] =	stream.linear.scatter [tilespmem:s2], [sflag:$0x2], $0x8000, $0x38;
	[tilespmem:$0x18000] =	vst v63  }
0x1d8: {  	_ =	swait.ge [sflag:s3], $0x8000  }
0x1d9: {  	[sflag:s3] =	ssyncset.done $0x0  }
0x1da: {  	p1 =	sne.s32 s1, $0x1;
	[sflag:s3] =	ssyncadd.s32 $0xFFFF8000  }
.Ltmp2:
0x1db: {  	_ =	swait.ge [sflag:s3], $0x8000;
	(pc) =	sbr.rel @p1 .LBB2_2-.Ltmp2, $4  }
0x1dc: {  	[sflag:s3] =	ssyncset.done $0x0  }
0x1dd: {  	[sflag:s3] =	ssyncadd.s32 $0xFFFF8000  }
0x1de: {  	_ =	swait.ge [sflag:s3], $0x8000  }
0x1df: {  	s1 =	sadd.s32 $0xFFFFFFFF, s1;
	s0 =	rddreg [dreg:$0x5];
	[sflag:s3] =	ssyncset.done $0x0  }
.LBB2_3:
0x1e0: {  	[sflag:s3] =	ssyncadd.s32 @p0 $0xFFFF8000  }
0x1e1: {  	[tilespmem:s6], [sflag:$0x1] =	stream.linear.gather [hbm4b:s0+s6], $0x8000, $0x38;
	[tilespmem:$0x18000] =	vst v63  }
0x1e2: {  	s1 =	rddreg [dreg:$0x6]  }
0x1e3: {  	[tilespmem:s2], [sflag:$0x1] =	stream.linear.gather [hbm4b:s1+s6], $0x8000, $0x38;
	[tilespmem:$0x18000] =	vst v63  }
0x1e4: {  	_ =	swait.ge [sflag:s8], $0x8000  }
0x1e5: {  	[sflag:s8] =	ssyncset.done $0x0  }
0x1e6: {  	s0 =	rddreg [dreg:$0x7];
	[sflag:s8] =	ssyncadd.s32 $0xFFFF8000  }
0x1e7: {  	[hbm4b:s0+s6] =	stream.linear.scatter [tilespmem:s6], [sflag:$0x2], $0x8000, $0x38;
	[tilespmem:$0x18000] =	vst v63  }
0x1e8: {  	s1 =	rddreg [dreg:$0x8]  }
0x1e9: {  	[tilespmem:s14], [sflag:$0x1] =	stream.linear.gather [hbm4b:s1+s6], $0x8000, $0x38;
	[tilespmem:$0x18000] =	vst v63  }
0x1ea: {  	_ =	swait.ge [sflag:s8], $0x8000  }
0x1eb: {  	[sflag:s8] =	ssyncset.done $0x0  }
0x1ec: {  	s1 =	rddreg [dreg:$0x9];
	[sflag:s8] =	ssyncadd.s32 $0xFFFF8000  }
0x1ed: {  	[hbm4b:s1+s6] =	stream.linear.scatter [tilespmem:s2], [sflag:$0x2], $0x8000, $0x38;
	[tilespmem:$0x18000] =	vst v63  }
0x1ee: {  	_ =	swait.ge [sflag:s3], $0x8000  }
0x1ef: {  	[sflag:s3] =	ssyncset.done $0x0  }
0x1f0: {  	s1 =	rddreg [dreg:$0xa];
	[sflag:s3] =	ssyncadd.s32 $0xFFFF8000  }
0x1f1: {  	[tilespmem:s6], [sflag:$0x1] =	stream.linear.gather [hbm4b:s1+s6], $0x8000, $0x38;
	[tilespmem:$0x18000] =	vst v63  }
0x1f2: {  	_ =	swait.ge [sflag:s8], $0x8000  }
0x1f3: {  	[sflag:s8] =	ssyncset.done $0x0  }
0x1f4: {  	s1 =	rddreg [dreg:$0xb];
	[sflag:s8] =	ssyncadd.s32 $0xFFFF8000  }
0x1f5: {  	[hbm4b:s1+s6] =	stream.linear.scatter [tilespmem:s14], [sflag:$0x2], $0x8000, $0x38;
	[tilespmem:$0x18000] =	vst v63  }
0x1f6: {  	_ =	swait.ge [sflag:s3], $0x8000  }
0x1f7: {  	[sflag:s3] =	ssyncset.done $0x0  }
0x1f8: {  	s1 =	rddreg [dreg:$0xc];
	[sflag:s3] =	ssyncadd.s32 $0xFFFF8000  }
0x1f9: {  	[tilespmem:s2], [sflag:$0x1] =	stream.linear.gather [hbm4b:s1+s6], $0x8000, $0x38;
	[tilespmem:$0x18000] =	vst v63  }
0x1fa: {  	_ =	swait.ge [sflag:s8], $0x8000  }
0x1fb: {  	[sflag:s8] =	ssyncset.done $0x0  }
0x1fc: {  	s1 =	rddreg [dreg:$0xd];
	[sflag:s8] =	ssyncadd.s32 $0xFFFF8000  }
0x1fd: {  	[hbm4b:s1+s6] =	stream.linear.scatter [tilespmem:s6], [sflag:$0x2], $0x8000, $0x38;
	[tilespmem:$0x18000] =	vst v63  }
0x1fe: {  	_ =	swait.ge [sflag:s3], $0x8000  }
0x1ff: {  	[sflag:s3] =	ssyncset.done $0x0  }
0x200: {  	s1 =	rddreg [dreg:$0xe];
	[sflag:s3] =	ssyncadd.s32 $0xFFFF8000  }
0x201: {  	[tilespmem:s14], [sflag:$0x1] =	stream.linear.gather [hbm4b:s1+s6], $0x8000, $0x38;
	[tilespmem:$0x18000] =	vst v63  }
0x202: {  	_ =	swait.ge [sflag:s8], $0x8000  }
0x203: {  	[sflag:s8] =	ssyncset.done $0x0  }
0x204: {  	s1 =	rddreg [dreg:$0xf];
	[sflag:s8] =	ssyncadd.s32 $0xFFFF8000  }
0x205: {  	[hbm4b:s1+s6] =	stream.linear.scatter [tilespmem:s2], [sflag:$0x2], $0x8000, $0x38;
	[tilespmem:$0x18000] =	vst v63  }
0x206: {  	_ =	swait.ge [sflag:s3], $0x8000  }
0x207: {  	[sflag:s3] =	ssyncset.done $0x0  }
0x208: {  	s1 =	rddreg [dreg:$0x10];
	[sflag:s3] =	ssyncadd.s32 $0xFFFF8000  }
0x209: {  	[tilespmem:s6], [sflag:$0x1] =	stream.linear.gather [hbm4b:s1+s6], $0x8000, $0x38;
	[tilespmem:$0x18000] =	vst v63  }
0x20a: {  	_ =	swait.ge [sflag:s8], $0x8000  }
0x20b: {  	[sflag:s8] =	ssyncset.done $0x0  }
0x20c: {  	s1 =	rddreg [dreg:$0x11];
	[sflag:s8] =	ssyncadd.s32 $0xFFFF8000  }
0x20d: {  	[hbm4b:s1+s6] =	stream.linear.scatter [tilespmem:s14], [sflag:$0x2], $0x8000, $0x38;
	[tilespmem:$0x18000] =	vst v63  }
0x20e: {  	_ =	swait.ge [sflag:s3], $0x8000  }
0x20f: {  	[sflag:s3] =	ssyncset.done $0x0  }
0x210: {  	s1 =	rddreg [dreg:$0x12];
	[sflag:s3] =	ssyncadd.s32 $0xFFFF8000  }
0x211: {  	[tilespmem:s2], [sflag:$0x1] =	stream.linear.gather [hbm4b:s1+s6], $0x8000, $0x38;
	[tilespmem:$0x18000] =	vst v63  }
0x212: {  	_ =	swait.ge [sflag:s8], $0x8000  }
0x213: {  	[sflag:s8] =	ssyncset.done $0x0  }
0x214: {  	s1 =	rddreg [dreg:$0x13];
	[sflag:s8] =	ssyncadd.s32 $0xFFFF8000  }
0x215: {  	[hbm4b:s1+s6] =	stream.linear.scatter [tilespmem:s6], [sflag:$0x2], $0x8000, $0x38;
	[tilespmem:$0x18000] =	vst v63  }
0x216: {  	_ =	swait.ge [sflag:s3], $0x8000  }
0x217: {  	[sflag:s3] =	ssyncset.done $0x0  }
0x218: {  	s1 =	rddreg [dreg:$0x14];
	[sflag:s3] =	ssyncadd.s32 $0xFFFF8000  }
0x219: {  	[tilespmem:s14], [sflag:$0x1] =	stream.linear.gather [hbm4b:s1+s6], $0x8000, $0x38;
	[tilespmem:$0x18000] =	vst v63  }
0x21a: {  	_ =	swait.ge [sflag:s8], $0x8000  }
0x21b: {  	[sflag:s8] =	ssyncset.done $0x0  }
0x21c: {  	s1 =	rddreg [dreg:$0x15];
	[sflag:s8] =	ssyncadd.s32 $0xFFFF8000  }
0x21d: {  	[hbm4b:s1+s6] =	stream.linear.scatter [tilespmem:s2], [sflag:$0x2], $0x8000, $0x38;
	[tilespmem:$0x18000] =	vst v63  }
0x21e: {  	_ =	swait.ge [sflag:s3], $0x8000  }
0x21f: {  	[sflag:s3] =	ssyncset.done $0x0  }
0x220: {  	s1 =	rddreg [dreg:$0x16];
	[sflag:s3] =	ssyncadd.s32 $0xFFFF8000  }
0x221: {  	[tilespmem:s6], [sflag:$0x1] =	stream.linear.gather [hbm4b:s1+s6], $0x8000, $0x38;
	[tilespmem:$0x18000] =	vst v63  }
0x222: {  	_ =	swait.ge [sflag:s8], $0x8000  }
0x223: {  	[sflag:s8] =	ssyncset.done $0x0  }
0x224: {  	s1 =	rddreg [dreg:$0x17];
	[sflag:s8] =	ssyncadd.s32 $0xFFFF8000  }
0x225: {  	[hbm4b:s1+s6] =	stream.linear.scatter [tilespmem:s14], [sflag:$0x2], $0x8000, $0x38;
	[tilespmem:$0x18000] =	vst v63  }
0x226: {  	_ =	swait.ge [sflag:s3], $0x8000  }
0x227: {  	[sflag:s3] =	ssyncset.done $0x0  }
0x228: {  	s1 =	rddreg [dreg:$0x18];
	[sflag:s3] =	ssyncadd.s32 $0xFFFF8000  }
0x229: {  	[tilespmem:s2], [sflag:$0x1] =	stream.linear.gather [hbm4b:s1+s6], $0x8000, $0x38;
	[tilespmem:$0x18000] =	vst v63  }
0x22a: {  	_ =	swait.ge [sflag:s8], $0x8000  }
0x22b: {  	[sflag:s8] =	ssyncset.done $0x0  }
0x22c: {  	s1 =	rddreg [dreg:$0x19];
	[sflag:s8] =	ssyncadd.s32 $0xFFFF8000  }
0x22d: {  	[hbm4b:s1+s6] =	stream.linear.scatter [tilespmem:s6], [sflag:$0x2], $0x8000, $0x38;
	[tilespmem:$0x18000] =	vst v63  }
0x22e: {  	_ =	swait.ge [sflag:s3], $0x8000  }
0x22f: {  	[sflag:s3] =	ssyncset.done $0x0  }
0x230: {  	s1 =	rddreg [dreg:$0x1a];
	[sflag:s3] =	ssyncadd.s32 $0xFFFF8000  }
0x231: {  	[tilespmem:s14], [sflag:$0x1] =	stream.linear.gather [hbm4b:s1+s6], $0x8000, $0x38;
	[tilespmem:$0x18000] =	vst v63  }
0x232: {  	_ =	swait.ge [sflag:s8], $0x8000  }
0x233: {  	[sflag:s8] =	ssyncset.done $0x0  }
0x234: {  	s1 =	rddreg [dreg:$0x1b];
	[sflag:s8] =	ssyncadd.s32 $0xFFFF8000  }
0x235: {  	[hbm4b:s1+s6] =	stream.linear.scatter [tilespmem:s2], [sflag:$0x2], $0x8000, $0x38;
	[tilespmem:$0x18000] =	vst v63  }
0x236: {  	_ =	swait.ge [sflag:s3], $0x8000  }
0x237: {  	[sflag:s3] =	ssyncset.done $0x0  }
0x238: {  	s1 =	rddreg [dreg:$0x1c];
	[sflag:s3] =	ssyncadd.s32 $0xFFFF8000  }
0x239: {  	[tilespmem:s6], [sflag:$0x1] =	stream.linear.gather [hbm4b:s1+s6], $0x8000, $0x38;
	[tilespmem:$0x18000] =	vst v63  }
0x23a: {  	_ =	swait.ge [sflag:s8], $0x8000  }
0x23b: {  	[sflag:s8] =	ssyncset.done $0x0  }
0x23c: {  	s1 =	rddreg [dreg:$0x1d];
	[sflag:s8] =	ssyncadd.s32 $0xFFFF8000  }
0x23d: {  	[hbm4b:s1+s6] =	stream.linear.scatter [tilespmem:s14], [sflag:$0x2], $0x8000, $0x38;
	[tilespmem:$0x18000] =	vst v63  }
0x23e: {  	_ =	swait.ge [sflag:s3], $0x8000  }
0x23f: {  	[sflag:s3] =	ssyncset.done $0x0  }
0x240: {  	s1 =	rddreg [dreg:$0x1e];
	[sflag:s3] =	ssyncadd.s32 $0xFFFF8000  }
0x241: {  	[tilespmem:s2], [sflag:$0x1] =	stream.linear.gather [hbm4b:s1+s6], $0x8000, $0x38;
	[tilespmem:$0x18000] =	vst v63  }
0x242: {  	_ =	swait.ge [sflag:s8], $0x8000  }
0x243: {  	[sflag:s8] =	ssyncset.done $0x0  }
0x244: {  	s1 =	rddreg [dreg:$0x1f];
	[sflag:s8] =	ssyncadd.s32 $0xFFFF8000  }
0x245: {  	[hbm4b:s1+s6] =	stream.linear.scatter [tilespmem:s6], [sflag:$0x2], $0x8000, $0x38;
	[tilespmem:$0x18000] =	vst v63  }
0x246: {  	_ =	swait.ge [sflag:s3], $0x8000  }
0x247: {  	s1 =	sld [smem:$0x7FD]  }
0x248: {  	[sflag:s3] =	ssyncset.done $0x0  }
0x249: {  	[sflag:s3] =	ssyncadd.s32 $0xFFFF8000  }
0x24a: {  	[tilespmem:s14], [sflag:$0x1] =	stream.linear.gather [hbm4b:s1+s6], $0x8000, $0x38;
	[tilespmem:$0x18000] =	vst v63  }
0x24b: {  	_ =	swait.ge [sflag:s8], $0x8000  }
0x24c: {  	[sflag:s8] =	ssyncset.done $0x0  }
0x24d: {  	[sflag:s8] =	ssyncadd.s32 $0xFFFF8000  }
0x24e: {  	[hbm4b:s31+s6] =	stream.linear.scatter [tilespmem:s2], [sflag:$0x2], $0x8000, $0x38;
	[tilespmem:$0x18000] =	vst v63  }
0x24f: {  	_ =	swait.ge [sflag:s3], $0x8000  }
0x250: {  	[sflag:s3] =	ssyncset.done $0x0  }
0x251: {  	[sflag:s3] =	ssyncadd.s32 $0xFFFF8000  }
0x252: {  	[tilespmem:s6], [sflag:$0x1] =	stream.linear.gather [hbm4b:s30+s6], $0x8000, $0x38;
	[tilespmem:$0x18000] =	vst v63  }
0x253: {  	_ =	swait.ge [sflag:s8], $0x8000  }
0x254: {  	[sflag:s8] =	ssyncset.done $0x0  }
0x255: {  	[sflag:s8] =	ssyncadd.s32 $0xFFFF8000  }
0x256: {  	[hbm4b:s29+s6] =	stream.linear.scatter [tilespmem:s14], [sflag:$0x2], $0x8000, $0x38;
	[tilespmem:$0x18000] =	vst v63  }
0x257: {  	_ =	swait.ge [sflag:s3], $0x8000  }
0x258: {  	[sflag:s3] =	ssyncset.done $0x0  }
0x259: {  	[sflag:s3] =	ssyncadd.s32 $0xFFFF8000  }
0x25a: {  	[tilespmem:s2], [sflag:$0x1] =	stream.linear.gather [hbm4b:s28+s6], $0x8000, $0x38;
	[tilespmem:$0x18000] =	vst v63  }
0x25b: {  	_ =	swait.ge [sflag:s8], $0x8000  }
0x25c: {  	[sflag:s8] =	ssyncset.done $0x0  }
0x25d: {  	[sflag:s8] =	ssyncadd.s32 $0xFFFF8000  }
0x25e: {  	[hbm4b:s26+s6] =	stream.linear.scatter [tilespmem:s6], [sflag:$0x2], $0x8000, $0x38;
	[tilespmem:$0x18000] =	vst v63  }
0x25f: {  	_ =	swait.ge [sflag:s3], $0x8000  }
0x260: {  	[sflag:s3] =	ssyncset.done $0x0  }
0x261: {  	[sflag:s3] =	ssyncadd.s32 $0xFFFF8000  }
0x262: {  	[tilespmem:s14], [sflag:$0x1] =	stream.linear.gather [hbm4b:s25+s6], $0x8000, $0x38;
	[tilespmem:$0x18000] =	vst v63  }
0x263: {  	_ =	swait.ge [sflag:s8], $0x8000  }
0x264: {  	[sflag:s8] =	ssyncset.done $0x0  }
0x265: {  	[sflag:s8] =	ssyncadd.s32 $0xFFFF8000  }
0x266: {  	[hbm4b:s24+s6] =	stream.linear.scatter [tilespmem:s2], [sflag:$0x2], $0x8000, $0x38;
	[tilespmem:$0x18000] =	vst v63  }
0x267: {  	_ =	swait.ge [sflag:s3], $0x8000  }
0x268: {  	[sflag:s3] =	ssyncset.done $0x0  }
0x269: {  	[sflag:s3] =	ssyncadd.s32 $0xFFFF8000  }
0x26a: {  	[tilespmem:s6], [sflag:$0x1] =	stream.linear.gather [hbm4b:s23+s6], $0x8000, $0x38;
	[tilespmem:$0x18000] =	vst v63  }
0x26b: {  	_ =	swait.ge [sflag:s8], $0x8000  }
0x26c: {  	[sflag:s8] =	ssyncset.done $0x0  }
0x26d: {  	[sflag:s8] =	ssyncadd.s32 $0xFFFF8000  }
0x26e: {  	[hbm4b:s22+s6] =	stream.linear.scatter [tilespmem:s14], [sflag:$0x2], $0x8000, $0x38;
	[tilespmem:$0x18000] =	vst v63  }
0x26f: {  	_ =	swait.ge [sflag:s3], $0x8000  }
0x270: {  	[sflag:s3] =	ssyncset.done $0x0  }
0x271: {  	[sflag:s3] =	ssyncadd.s32 $0xFFFF8000  }
0x272: {  	[tilespmem:s2], [sflag:$0x1] =	stream.linear.gather [hbm4b:s21+s6], $0x8000, $0x38;
	[tilespmem:$0x18000] =	vst v63  }
0x273: {  	_ =	swait.ge [sflag:s8], $0x8000  }
0x274: {  	[sflag:s8] =	ssyncset.done $0x0  }
0x275: {  	[sflag:s8] =	ssyncadd.s32 $0xFFFF8000  }
0x276: {  	[hbm4b:s20+s6] =	stream.linear.scatter [tilespmem:s6], [sflag:$0x2], $0x8000, $0x38;
	[tilespmem:$0x18000] =	vst v63  }
0x277: {  	_ =	swait.ge [sflag:s3], $0x8000  }
0x278: {  	[sflag:s3] =	ssyncset.done $0x0  }
0x279: {  	[sflag:s3] =	ssyncadd.s32 $0xFFFF8000  }
0x27a: {  	[tilespmem:s14], [sflag:$0x1] =	stream.linear.gather [hbm4b:s19+s6], $0x8000, $0x38;
	[tilespmem:$0x18000] =	vst v63  }
0x27b: {  	_ =	swait.ge [sflag:s8], $0x8000  }
0x27c: {  	[sflag:s8] =	ssyncset.done $0x0  }
0x27d: {  	[sflag:s8] =	ssyncadd.s32 $0xFFFF8000  }
0x27e: {  	[hbm4b:s18+s6] =	stream.linear.scatter [tilespmem:s2], [sflag:$0x2], $0x8000, $0x38;
	[tilespmem:$0x18000] =	vst v63  }
0x27f: {  	_ =	swait.ge [sflag:s3], $0x8000  }
0x280: {  	[sflag:s3] =	ssyncset.done $0x0  }
0x281: {  	[sflag:s3] =	ssyncadd.s32 $0xFFFF8000  }
0x282: {  	[tilespmem:s6], [sflag:$0x1] =	stream.linear.gather [hbm4b:s16+s6], $0x8000, $0x38;
	[tilespmem:$0x18000] =	vst v63  }
0x283: {  	_ =	swait.ge [sflag:s8], $0x8000  }
0x284: {  	[sflag:s8] =	ssyncset.done $0x0  }
0x285: {  	[sflag:s8] =	ssyncadd.s32 $0xFFFF8000  }
0x286: {  	[hbm4b:s17+s6] =	stream.linear.scatter [tilespmem:s14], [sflag:$0x2], $0x8000, $0x38;
	[tilespmem:$0x18000] =	vst v63  }
0x287: {  	_ =	swait.ge [sflag:s3], $0x8000  }
0x288: {  	[sflag:s3] =	ssyncset.done $0x0  }
0x289: {  	[sflag:s3] =	ssyncadd.s32 $0xFFFF8000  }
0x28a: {  	[tilespmem:s2], [sflag:$0x1] =	stream.linear.gather [hbm4b:s15+s6], $0x8000, $0x38;
	[tilespmem:$0x18000] =	vst v63  }
0x28b: {  	_ =	swait.ge [sflag:s8], $0x8000  }
0x28c: {  	[sflag:s8] =	ssyncset.done $0x0  }
0x28d: {  	[sflag:s8] =	ssyncadd.s32 $0xFFFF8000  }
0x28e: {  	[hbm4b:s13+s6] =	stream.linear.scatter [tilespmem:s6], [sflag:$0x2], $0x8000, $0x38;
	[tilespmem:$0x18000] =	vst v63  }
0x28f: {  	_ =	swait.ge [sflag:s3], $0x8000  }
0x290: {  	[sflag:s3] =	ssyncset.done $0x0  }
0x291: {  	[sflag:s3] =	ssyncadd.s32 $0xFFFF8000  }
0x292: {  	[tilespmem:s14], [sflag:$0x1] =	stream.linear.gather [hbm4b:s12+s6], $0x8000, $0x38;
	[tilespmem:$0x18000] =	vst v63  }
0x293: {  	_ =	swait.ge [sflag:s8], $0x8000  }
0x294: {  	[sflag:s8] =	ssyncset.done $0x0  }
0x295: {  	[sflag:s8] =	ssyncadd.s32 $0xFFFF8000  }
0x296: {  	[hbm4b:s11+s6] =	stream.linear.scatter [tilespmem:s2], [sflag:$0x2], $0x8000, $0x38;
	[tilespmem:$0x18000] =	vst v63  }
0x297: {  	_ =	swait.ge [sflag:s3], $0x8000  }
0x298: {  	[sflag:s3] =	ssyncset.done $0x0  }
0x299: {  	[sflag:s3] =	ssyncadd.s32 $0xFFFF8000  }
0x29a: {  	[tilespmem:s6], [sflag:$0x1] =	stream.linear.gather [hbm4b:s10+s6], $0x8000, $0x38;
	[tilespmem:$0x18000] =	vst v63  }
0x29b: {  	_ =	swait.ge [sflag:s8], $0x8000  }
0x29c: {  	[sflag:s8] =	ssyncset.done $0x0  }
0x29d: {  	[sflag:s8] =	ssyncadd.s32 $0xFFFF8000  }
0x29e: {  	[hbm4b:s9+s6] =	stream.linear.scatter [tilespmem:s14], [sflag:$0x2], $0x8000, $0x38;
	[tilespmem:$0x18000] =	vst v63  }
0x29f: {  	_ =	swait.ge [sflag:s3], $0x8000  }
0x2a0: {  	[sflag:s3] =	ssyncset.done $0x0  }
0x2a1: {  	[sflag:s3] =	ssyncadd.s32 $0xFFFF8000  }
0x2a2: {  	[tilespmem:s2], [sflag:$0x1] =	stream.linear.gather [hbm4b:s7+s6], $0x8000, $0x38;
	[tilespmem:$0x18000] =	vst v63  }
0x2a3: {  	_ =	swait.ge [sflag:s8], $0x8000  }
0x2a4: {  	[sflag:s8] =	ssyncset.done $0x0  }
0x2a5: {  	[sflag:s8] =	ssyncadd.s32 $0xFFFF8000  }
0x2a6: {  	[hbm4b:s4+s6] =	stream.linear.scatter [tilespmem:s6], [sflag:$0x2], $0x8000, $0x38;
	[tilespmem:$0x18000] =	vst v63  }
0x2a7: {  	_ =	swait.ge [sflag:s8], $0x8000  }
0x2a8: {  	[sflag:s8] =	ssyncset.done $0x0  }
0x2a9: {  	[sflag:s8] =	ssyncadd.s32 $0xFFFF8000  }
0x2aa: {  	[hbm4b:s5+s6] =	stream.linear.scatter [tilespmem:s2], [sflag:$0x2], $0x8000, $0x38;
	[tilespmem:$0x18000] =	vst v63  }
0x2ab: {  	_ =	swait.ge [sflag:s3], $0x8000  }
0x2ac: {  	[sflag:s3] =	ssyncset.done $0x0  }
0x2ad: {  	[sflag:s3] =	ssyncadd.s32 $0xFFFF8000  }
0x2ae: {  	_ =	swait.ge [sflag:s3], $0x8000  }
0x2af: {  	[sflag:s3] =	ssyncset.done $0x0  }
0x2b0: {  	[sflag:s3] =	ssyncadd.s32 $0xFFFF8000  }
0x2b1: {  	_ =	swait.ge [sflag:s3], $0x8000  }
0x2b2: {  	[sflag:s3] =	ssyncset.done $0x0  }
0x2b3: {  	[sflag:s3] =	ssyncadd.s32 $0xFFFF8000  }
0x2b4: {  	_ =	sfence.sel $0x180000  }
0x2b5: {  	[bflag:$0x0] =	sbarrier.arrive $0xFFFF  }
0x2b6: {  	_ =	strace $0x90000047  }
0x2b7: {  	s31 =	stileid.u32;
	[bflag:$0x2] =	sbarrier.arrive $0xFFFF  }
0x2b8: {  	p0 =	sne.s32 s31, $0x0;
	s0 =	rddreg [dreg:$0x4]  }
0x2b9: {  	s0 =	sadd.s32 @!p0 $0x100000, s0  }
0x2ba: {  	[sflag:s0] =	ssyncadd.tile.s32 @!p0 $0x1;
	_ =	shalt  }
.Lfunc_end2:
_tile_overlayer_lowered:
.L_overlay_start_2:
0x2bb: {  	(tag) =	ssettag $0x2  }
0x2bc: {  	s0 =	rddreg [dreg:$0x0];
	s2 =	stileid.u32  }
0x2bd: {  	s1 =	rddreg [dreg:$0x1];
	p0 =	sne.s32 s2, $0x0  }
0x2be: {  	s3 =	rddreg [dreg:$0x2];
	[bflag:$0x3] =	sbarrier.arrive $0xFFFF;
	s2 =	simm.s32 @!p0 $0x1C03  }
0x2bf: {  	[timem:s3], [sflag:s2] =	dma.local @!p0 [hbm:s0], s1  }
0x2c0: {  	s0 =	simm.s32 @!p0 $0x3  }
0x2c1: {  	_ =	swait.ge @!p0 [sflag:s0], s1  }
0x2c2: {  	s1 =	ssub.s32 @!p0 $0x0, s1;
	[sflag:s0] =	ssyncset.done @!p0 $0x0  }
0x2c3: {  	[sflag:s0] =	ssyncadd.s32 @!p0 s1  }
0x2c4: {  	[bflag:$0x3] =	sbarrier.arrive $0xFFFF  }
0x2c5: {  	_ =	shalt  }

</sc_bundles>
